<compile_context>
chip_gen: v7x
topology: tpu7x:2x2x1
jax: 0.10.2.dev20260603
libtpu: 0.0.44.dev20260713+nightly
codegen_flags: <defaults>
</compile_context>

<pallas_src>
import jax
import jax.numpy as jnp
from jax import lax
from jax.experimental import pallas as pl
from jax.experimental.pallas import tpu as pltpu
from jax.experimental.pallas import tpu_sc as plsc

_NC = 2
_NS = 16
_NW = _NC * _NS

_D = 128
_D2 = 2 * _D
_N_EDGES = 320000
_EP = _N_EDGES // _NW
_C = 80
_NCHUNK = _EP // _C
_NBUF = 5
_OUTER = _NCHUNK // _NBUF


def _gather_body(x_hbm, eidx_hbm, out_hbm, src_v, dst_v, buf, *sems):
    gsems = sems[:_NBUF]
    wsems = sems[_NBUF:]
    wid = lax.axis_index("s") * _NC + lax.axis_index("c")
    ebase = wid * _EP

    pltpu.sync_copy(eidx_hbm.at[pl.ds(ebase, _EP)], src_v)
    pltpu.sync_copy(eidx_hbm.at[pl.ds(_N_EDGES + ebase, _EP)], dst_v)

    def gather_start(j, b):
        sl = pl.ds(j * _C, _C)
        pltpu.async_copy(x_hbm.at[src_v.at[sl]],
                         buf.at[b, pl.ds(0, _C), pl.ds(0, _D)], gsems[b])
        pltpu.async_copy(x_hbm.at[dst_v.at[sl]],
                         buf.at[b, pl.ds(0, _C), pl.ds(_D, _D)], gsems[b])

    def gather_wait(b):
        pltpu.make_async_copy(x_hbm, buf.at[b], gsems[b]).wait()

    def write_start(j, b):
        pltpu.async_copy(buf.at[b], out_hbm.at[pl.ds(ebase + j * _C, _C)],
                         wsems[b])

    def write_wait(j, b):
        pltpu.make_async_copy(buf.at[b],
                              out_hbm.at[pl.ds(ebase + j * _C, _C)],
                              wsems[b]).wait()

    for j in range(_NBUF - 1):
        gather_start(j, j)

    def outer(jh, _):
        for b in range(_NBUF):
            j = jh * _NBUF + b
            bp = (b - 1) % _NBUF
            @pl.when(j >= 1)
            def _():
                write_wait(j - 1, bp)

            jn = j + _NBUF - 1
            @pl.when(jn < _NCHUNK)
            def _():
                gather_start(jn, bp)

            gather_wait(b)
            write_start(j, b)
        return ()

    lax.fori_loop(0, _OUTER, outer, (), unroll=False)
    write_wait(_NCHUNK - 1, (_NCHUNK - 1) % _NBUF)


@jax.jit
def kernel(x, edge_index):
    eidx = edge_index.reshape(-1)
    grid = plsc.VectorSubcoreMesh(
        core_axis_name="c", subcore_axis_name="s",
        num_cores=_NC, num_subcores=_NS)
    return pl.kernel(
        _gather_body,
        out_type=jax.ShapeDtypeStruct((_N_EDGES, _D2), jnp.float32),
        mesh=grid,
        scratch_types=(
            [pltpu.VMEM((_EP,), jnp.int32),
             pltpu.VMEM((_EP,), jnp.int32),
             pltpu.VMEM((_NBUF, _C, _D2), jnp.float32)]
            + [pltpu.SemaphoreType.DMA] * (2 * _NBUF)
        ),
    )(x, eidx)

# --- scband reference (transcript-rebuilt; emitter-appended) ---
"""Pipeline reference for scband-gather-nodes-58256936403575 (READ-ONLY COPY).

The authoritative reference and input builder live on the scoring server;
editing this copy changes nothing except your own understanding.
"""

import jax, jax.numpy as jnp
import numpy as np


def setup_inputs(seed: int = 0) -> dict:
    key = jax.random.key(seed)
    k1, k2 = jax.random.split(key)
    x = jax.random.normal(k1, (10000, 128), dtype=jnp.float32)
    edge_index = jax.random.randint(k2, (2, 320000), 0, 10000, dtype=jnp.int64 if jax.config.jax_enable_x64 else jnp.int32).astype(jnp.int32)
    return {"x": x, "edge_index": edge_index}


def reference(x, edge_index):
    # GatherNodes with split_indices=(0, 1), axis_indices=0, concat_axis=1
    gathered = []
    for i in (0, 1):
        indices_take = jnp.take(edge_index, i, axis=0)  # ops.take(index, i, axis=0)
        x_i = jnp.take(x, indices_take, axis=0)          # ops.take(x, indices_take, axis=0)
        gathered.append(x_i)
    # Concatenate(axis=1)
    out = jnp.concatenate(gathered, axis=1)              # ([M], 2*F)
    return out

if __name__ == "__main__":
    import jax
    _d = setup_inputs()
    print(jax.jit(kernel)(*tuple(_d.values())))

</pallas_src>

<mosaic_0001>
#map = affine_map<(d0, d1) -> (0, 0)>
#map1 = affine_map<(d0, d1) -> (0)>
module attributes {stable_mosaic.version = 14 : i64} {
  func.func @_gather_body(%arg0: i32, %arg1: i32, %arg2: memref<10000x128xf32, #tpu.memory_space<hbm>>, %arg3: memref<640000xi32, #tpu.memory_space<hbm>>, %arg4: memref<320000x256xf32, #tpu.memory_space<hbm>>, %arg5: memref<10000xi32, #tpu.memory_space<vmem>>, %arg6: memref<10000xi32, #tpu.memory_space<vmem>>, %arg7: memref<5x80x256xf32, #tpu.memory_space<vmem>>, %arg8: memref<!tpu.dma_semaphore, #tpu.memory_space<semaphore_mem>>, %arg9: memref<!tpu.dma_semaphore, #tpu.memory_space<semaphore_mem>>, %arg10: memref<!tpu.dma_semaphore, #tpu.memory_space<semaphore_mem>>, %arg11: memref<!tpu.dma_semaphore, #tpu.memory_space<semaphore_mem>>, %arg12: memref<!tpu.dma_semaphore, #tpu.memory_space<semaphore_mem>>, %arg13: memref<!tpu.dma_semaphore, #tpu.memory_space<semaphore_mem>>, %arg14: memref<!tpu.dma_semaphore, #tpu.memory_space<semaphore_mem>>, %arg15: memref<!tpu.dma_semaphore, #tpu.memory_space<semaphore_mem>>, %arg16: memref<!tpu.dma_semaphore, #tpu.memory_space<semaphore_mem>>, %arg17: memref<!tpu.dma_semaphore, #tpu.memory_space<semaphore_mem>>) attributes {dimension_semantics = [#tpu.dimension_semantics<core_parallel>, #tpu.dimension_semantics<subcore_parallel>], iteration_bounds = array<i64: 2, 16>, scalar_prefetch = 0 : i64, scratch_operands = 13 : i64, tpu.core_type = #tpu.core_type<sc_vector_subcore>, window_params = [{transform_indices = #map}, {transform_indices = #map1}, {transform_indices = #map}]} {
    %mul3A = arith.constant 2 : i32
    %mul3A_0 = arith.muli %arg1, %mul3A : i32
    %add3A = arith.addi %mul3A_0, %arg0 : i32
    %mul3A_1 = arith.constant 10000 : i32
    %mul3A_2 = arith.muli %add3A, %mul3A_1 : i32
    "tpu.region"() ({
      %run_scoped3A = tpu.sem_alloc : memref<!tpu.dma_semaphore, #tpu.memory_space<semaphore_mem>>
      %dma_start3A_102 = tpu.memref_slice %arg3[%mul3A_2] : memref<640000xi32, #tpu.memory_space<hbm>> -> memref<10000xi32, #tpu.memory_space<hbm>>
      %dma_start3A_103 = tpu.memref_slice %arg3[%mul3A_2] : memref<640000xi32, #tpu.memory_space<hbm>> -> memref<10000xi32, #tpu.memory_space<hbm>>
      tpu.enqueue_dma source(%dma_start3A_103 : memref<10000xi32, #tpu.memory_space<hbm>>) target(%arg5 : memref<10000xi32, #tpu.memory_space<vmem>>) target_semaphore(%run_scoped3A : memref<!tpu.dma_semaphore, #tpu.memory_space<semaphore_mem>>)
      %dma_wait3A_104 = tpu.memref_slice %arg3[%mul3A_2] : memref<640000xi32, #tpu.memory_space<hbm>> -> memref<10000xi32, #tpu.memory_space<hbm>>
      %dma_wait3A_105 = tpu.memref_slice %arg3[%mul3A_2] : memref<640000xi32, #tpu.memory_space<hbm>> -> memref<10000xi32, #tpu.memory_space<hbm>>
      tpu.wait_dma2 semaphore(%run_scoped3A : memref<!tpu.dma_semaphore, #tpu.memory_space<semaphore_mem>>) src(%dma_wait3A_105 : memref<10000xi32, #tpu.memory_space<hbm>>) dst(%arg5 : memref<10000xi32, #tpu.memory_space<vmem>>)
      tpu.yield
    }) : () -> ()
    %add3A_3 = arith.constant 320000 : i32
    %add3A_4 = arith.addi %add3A_3, %mul3A_2 : i32
    "tpu.region"() ({
      %run_scoped3A = tpu.sem_alloc : memref<!tpu.dma_semaphore, #tpu.memory_space<semaphore_mem>>
      %dma_start3A_102 = tpu.memref_slice %arg3[%add3A_4] : memref<640000xi32, #tpu.memory_space<hbm>> -> memref<10000xi32, #tpu.memory_space<hbm>>
      %dma_start3A_103 = tpu.memref_slice %arg3[%add3A_4] : memref<640000xi32, #tpu.memory_space<hbm>> -> memref<10000xi32, #tpu.memory_space<hbm>>
      tpu.enqueue_dma source(%dma_start3A_103 : memref<10000xi32, #tpu.memory_space<hbm>>) target(%arg6 : memref<10000xi32, #tpu.memory_space<vmem>>) target_semaphore(%run_scoped3A : memref<!tpu.dma_semaphore, #tpu.memory_space<semaphore_mem>>)
      %dma_wait3A_104 = tpu.memref_slice %arg3[%add3A_4] : memref<640000xi32, #tpu.memory_space<hbm>> -> memref<10000xi32, #tpu.memory_space<hbm>>
      %dma_wait3A_105 = tpu.memref_slice %arg3[%add3A_4] : memref<640000xi32, #tpu.memory_space<hbm>> -> memref<10000xi32, #tpu.memory_space<hbm>>
      tpu.wait_dma2 semaphore(%run_scoped3A : memref<!tpu.dma_semaphore, #tpu.memory_space<semaphore_mem>>) src(%dma_wait3A_105 : memref<10000xi32, #tpu.memory_space<hbm>>) dst(%arg6 : memref<10000xi32, #tpu.memory_space<vmem>>)
      tpu.yield
    }) : () -> ()
    %dma_start3A = arith.constant 0 : i32
    %dma_start3A_5 = arith.constant 0 : i32
    %dma_start3A_6 = arith.constant 0 : i32
    %dma_start3A_7 = tpu.memref_slice %arg7[%dma_start3A, %dma_start3A_5, %dma_start3A_6] : memref<5x80x256xf32, #tpu.memory_space<vmem>> -> memref<1x80x128xf32, #tpu.memory_space<vmem>>
    %dma_start3A_8 = tpu.memref_squeeze %dma_start3A_7 : memref<1x80x128xf32, #tpu.memory_space<vmem>> -> memref<80x128xf32, #tpu.memory_space<vmem>>
    %dma_start3A_9 = arith.constant 0 : i32
    %dma_start3A_10 = tpu.memref_slice %arg5[%dma_start3A_9] : memref<10000xi32, #tpu.memory_space<vmem>> -> memref<80xi32, #tpu.memory_space<vmem>>
    %dma_start3A_11 = arith.constant 0 : i32
    %dma_start3A_12 = arith.constant 0 : i32
    %dma_start3A_13 = tpu.memref_slice %arg2[%dma_start3A_11, %dma_start3A_12] : memref<10000x128xf32, #tpu.memory_space<hbm>> -> memref<10000x128xf32, #tpu.memory_space<hbm>>
    tpu.enqueue_indirect_dma source(%dma_start3A_13 : memref<10000x128xf32, #tpu.memory_space<hbm>>) target(%dma_start3A_8 : memref<80x128xf32, #tpu.memory_space<vmem>>) offsets(%dma_start3A_10 : memref<80xi32, #tpu.memory_space<vmem>>) semaphore(%arg8 : memref<!tpu.dma_semaphore, #tpu.memory_space<semaphore_mem>>)
    %dma_start3A_14 = arith.constant 0 : i32
    %dma_start3A_15 = arith.constant 0 : i32
    %dma_start3A_16 = arith.constant 128 : i32
    %dma_start3A_17 = tpu.memref_slice %arg7[%dma_start3A_14, %dma_start3A_15, %dma_start3A_16] : memref<5x80x256xf32, #tpu.memory_space<vmem>> -> memref<1x80x128xf32, #tpu.memory_space<vmem>>
    %dma_start3A_18 = tpu.memref_squeeze %dma_start3A_17 : memref<1x80x128xf32, #tpu.memory_space<vmem>> -> memref<80x128xf32, #tpu.memory_space<vmem>>
    %dma_start3A_19 = arith.constant 0 : i32
    %dma_start3A_20 = tpu.memref_slice %arg6[%dma_start3A_19] : memref<10000xi32, #tpu.memory_space<vmem>> -> memref<80xi32, #tpu.memory_space<vmem>>
    %dma_start3A_21 = arith.constant 0 : i32
    %dma_start3A_22 = arith.constant 0 : i32
    %dma_start3A_23 = tpu.memref_slice %arg2[%dma_start3A_21, %dma_start3A_22] : memref<10000x128xf32, #tpu.memory_space<hbm>> -> memref<10000x128xf32, #tpu.memory_space<hbm>>
    tpu.enqueue_indirect_dma source(%dma_start3A_23 : memref<10000x128xf32, #tpu.memory_space<hbm>>) target(%dma_start3A_18 : memref<80x128xf32, #tpu.memory_space<vmem>>) offsets(%dma_start3A_20 : memref<80xi32, #tpu.memory_space<vmem>>) semaphore(%arg8 : memref<!tpu.dma_semaphore, #tpu.memory_space<semaphore_mem>>)
    %dma_start3A_24 = arith.constant 1 : i32
    %dma_start3A_25 = arith.constant 0 : i32
    %dma_start3A_26 = arith.constant 0 : i32
    %dma_start3A_27 = tpu.memref_slice %arg7[%dma_start3A_24, %dma_start3A_25, %dma_start3A_26] : memref<5x80x256xf32, #tpu.memory_space<vmem>> -> memref<1x80x128xf32, #tpu.memory_space<vmem>>
    %dma_start3A_28 = tpu.memref_squeeze %dma_start3A_27 : memref<1x80x128xf32, #tpu.memory_space<vmem>> -> memref<80x128xf32, #tpu.memory_space<vmem>>
    %dma_start3A_29 = arith.constant 80 : i32
    %dma_start3A_30 = tpu.memref_slice %arg5[%dma_start3A_29] : memref<10000xi32, #tpu.memory_space<vmem>> -> memref<80xi32, #tpu.memory_space<vmem>>
    %dma_start3A_31 = arith.constant 0 : i32
    %dma_start3A_32 = arith.constant 0 : i32
    %dma_start3A_33 = tpu.memref_slice %arg2[%dma_start3A_31, %dma_start3A_32] : memref<10000x128xf32, #tpu.memory_space<hbm>> -> memref<10000x128xf32, #tpu.memory_space<hbm>>
    tpu.enqueue_indirect_dma source(%dma_start3A_33 : memref<10000x128xf32, #tpu.memory_space<hbm>>) target(%dma_start3A_28 : memref<80x128xf32, #tpu.memory_space<vmem>>) offsets(%dma_start3A_30 : memref<80xi32, #tpu.memory_space<vmem>>) semaphore(%arg9 : memref<!tpu.dma_semaphore, #tpu.memory_space<semaphore_mem>>)
    %dma_start3A_34 = arith.constant 1 : i32
    %dma_start3A_35 = arith.constant 0 : i32
    %dma_start3A_36 = arith.constant 128 : i32
    %dma_start3A_37 = tpu.memref_slice %arg7[%dma_start3A_34, %dma_start3A_35, %dma_start3A_36] : memref<5x80x256xf32, #tpu.memory_space<vmem>> -> memref<1x80x128xf32, #tpu.memory_space<vmem>>
    %dma_start3A_38 = tpu.memref_squeeze %dma_start3A_37 : memref<1x80x128xf32, #tpu.memory_space<vmem>> -> memref<80x128xf32, #tpu.memory_space<vmem>>
    %dma_start3A_39 = arith.constant 80 : i32
    %dma_start3A_40 = tpu.memref_slice %arg6[%dma_start3A_39] : memref<10000xi32, #tpu.memory_space<vmem>> -> memref<80xi32, #tpu.memory_space<vmem>>
    %dma_start3A_41 = arith.constant 0 : i32
    %dma_start3A_42 = arith.constant 0 : i32
    %dma_start3A_43 = tpu.memref_slice %arg2[%dma_start3A_41, %dma_start3A_42] : memref<10000x128xf32, #tpu.memory_space<hbm>> -> memref<10000x128xf32, #tpu.memory_space<hbm>>
    tpu.enqueue_indirect_dma source(%dma_start3A_43 : memref<10000x128xf32, #tpu.memory_space<hbm>>) target(%dma_start3A_38 : memref<80x128xf32, #tpu.memory_space<vmem>>) offsets(%dma_start3A_40 : memref<80xi32, #tpu.memory_space<vmem>>) semaphore(%arg9 : memref<!tpu.dma_semaphore, #tpu.memory_space<semaphore_mem>>)
    %dma_start3A_44 = arith.constant 2 : i32
    %dma_start3A_45 = arith.constant 0 : i32
    %dma_start3A_46 = arith.constant 0 : i32
    %dma_start3A_47 = tpu.memref_slice %arg7[%dma_start3A_44, %dma_start3A_45, %dma_start3A_46] : memref<5x80x256xf32, #tpu.memory_space<vmem>> -> memref<1x80x128xf32, #tpu.memory_space<vmem>>
    %dma_start3A_48 = tpu.memref_squeeze %dma_start3A_47 : memref<1x80x128xf32, #tpu.memory_space<vmem>> -> memref<80x128xf32, #tpu.memory_space<vmem>>
    %dma_start3A_49 = arith.constant 160 : i32
    %dma_start3A_50 = tpu.memref_slice %arg5[%dma_start3A_49] : memref<10000xi32, #tpu.memory_space<vmem>> -> memref<80xi32, #tpu.memory_space<vmem>>
    %dma_start3A_51 = arith.constant 0 : i32
    %dma_start3A_52 = arith.constant 0 : i32
    %dma_start3A_53 = tpu.memref_slice %arg2[%dma_start3A_51, %dma_start3A_52] : memref<10000x128xf32, #tpu.memory_space<hbm>> -> memref<10000x128xf32, #tpu.memory_space<hbm>>
    tpu.enqueue_indirect_dma source(%dma_start3A_53 : memref<10000x128xf32, #tpu.memory_space<hbm>>) target(%dma_start3A_48 : memref<80x128xf32, #tpu.memory_space<vmem>>) offsets(%dma_start3A_50 : memref<80xi32, #tpu.memory_space<vmem>>) semaphore(%arg10 : memref<!tpu.dma_semaphore, #tpu.memory_space<semaphore_mem>>)
    %dma_start3A_54 = arith.constant 2 : i32
    %dma_start3A_55 = arith.constant 0 : i32
    %dma_start3A_56 = arith.constant 128 : i32
    %dma_start3A_57 = tpu.memref_slice %arg7[%dma_start3A_54, %dma_start3A_55, %dma_start3A_56] : memref<5x80x256xf32, #tpu.memory_space<vmem>> -> memref<1x80x128xf32, #tpu.memory_space<vmem>>
    %dma_start3A_58 = tpu.memref_squeeze %dma_start3A_57 : memref<1x80x128xf32, #tpu.memory_space<vmem>> -> memref<80x128xf32, #tpu.memory_space<vmem>>
    %dma_start3A_59 = arith.constant 160 : i32
    %dma_start3A_60 = tpu.memref_slice %arg6[%dma_start3A_59] : memref<10000xi32, #tpu.memory_space<vmem>> -> memref<80xi32, #tpu.memory_space<vmem>>
    %dma_start3A_61 = arith.constant 0 : i32
    %dma_start3A_62 = arith.constant 0 : i32
    %dma_start3A_63 = tpu.memref_slice %arg2[%dma_start3A_61, %dma_start3A_62] : memref<10000x128xf32, #tpu.memory_space<hbm>> -> memref<10000x128xf32, #tpu.memory_space<hbm>>
    tpu.enqueue_indirect_dma source(%dma_start3A_63 : memref<10000x128xf32, #tpu.memory_space<hbm>>) target(%dma_start3A_58 : memref<80x128xf32, #tpu.memory_space<vmem>>) offsets(%dma_start3A_60 : memref<80xi32, #tpu.memory_space<vmem>>) semaphore(%arg10 : memref<!tpu.dma_semaphore, #tpu.memory_space<semaphore_mem>>)
    %dma_start3A_64 = arith.constant 3 : i32
    %dma_start3A_65 = arith.constant 0 : i32
    %dma_start3A_66 = arith.constant 0 : i32
    %dma_start3A_67 = tpu.memref_slice %arg7[%dma_start3A_64, %dma_start3A_65, %dma_start3A_66] : memref<5x80x256xf32, #tpu.memory_space<vmem>> -> memref<1x80x128xf32, #tpu.memory_space<vmem>>
    %dma_start3A_68 = tpu.memref_squeeze %dma_start3A_67 : memref<1x80x128xf32, #tpu.memory_space<vmem>> -> memref<80x128xf32, #tpu.memory_space<vmem>>
    %dma_start3A_69 = arith.constant 240 : i32
    %dma_start3A_70 = tpu.memref_slice %arg5[%dma_start3A_69] : memref<10000xi32, #tpu.memory_space<vmem>> -> memref<80xi32, #tpu.memory_space<vmem>>
    %dma_start3A_71 = arith.constant 0 : i32
    %dma_start3A_72 = arith.constant 0 : i32
    %dma_start3A_73 = tpu.memref_slice %arg2[%dma_start3A_71, %dma_start3A_72] : memref<10000x128xf32, #tpu.memory_space<hbm>> -> memref<10000x128xf32, #tpu.memory_space<hbm>>
    tpu.enqueue_indirect_dma source(%dma_start3A_73 : memref<10000x128xf32, #tpu.memory_space<hbm>>) target(%dma_start3A_68 : memref<80x128xf32, #tpu.memory_space<vmem>>) offsets(%dma_start3A_70 : memref<80xi32, #tpu.memory_space<vmem>>) semaphore(%arg11 : memref<!tpu.dma_semaphore, #tpu.memory_space<semaphore_mem>>)
    %dma_start3A_74 = arith.constant 3 : i32
    %dma_start3A_75 = arith.constant 0 : i32
    %dma_start3A_76 = arith.constant 128 : i32
    %dma_start3A_77 = tpu.memref_slice %arg7[%dma_start3A_74, %dma_start3A_75, %dma_start3A_76] : memref<5x80x256xf32, #tpu.memory_space<vmem>> -> memref<1x80x128xf32, #tpu.memory_space<vmem>>
    %dma_start3A_78 = tpu.memref_squeeze %dma_start3A_77 : memref<1x80x128xf32, #tpu.memory_space<vmem>> -> memref<80x128xf32, #tpu.memory_space<vmem>>
    %dma_start3A_79 = arith.constant 240 : i32
    %dma_start3A_80 = tpu.memref_slice %arg6[%dma_start3A_79] : memref<10000xi32, #tpu.memory_space<vmem>> -> memref<80xi32, #tpu.memory_space<vmem>>
    %dma_start3A_81 = arith.constant 0 : i32
    %dma_start3A_82 = arith.constant 0 : i32
    %dma_start3A_83 = tpu.memref_slice %arg2[%dma_start3A_81, %dma_start3A_82] : memref<10000x128xf32, #tpu.memory_space<hbm>> -> memref<10000x128xf32, #tpu.memory_space<hbm>>
    tpu.enqueue_indirect_dma source(%dma_start3A_83 : memref<10000x128xf32, #tpu.memory_space<hbm>>) target(%dma_start3A_78 : memref<80x128xf32, #tpu.memory_space<vmem>>) offsets(%dma_start3A_80 : memref<80xi32, #tpu.memory_space<vmem>>) semaphore(%arg11 : memref<!tpu.dma_semaphore, #tpu.memory_space<semaphore_mem>>)
    %scan3A = arith.constant 0 : i32
    %scan3A_84 = arith.constant 25 : i32
    %scan3A_85 = arith.addi %scan3A, %scan3A_84 : i32
    %scan3A_86 = arith.constant 1 : i32
    scf.for %scan3A_102 = %scan3A to %scan3A_85 step %scan3A_86  : i32 {
      %mul3A_103 = arith.constant 5 : i32
      %mul3A_104 = arith.muli %scan3A_102, %mul3A_103 : i32
      %add3A_105 = arith.constant 0 : i32
      %add3A_106 = arith.addi %mul3A_104, %add3A_105 : i32
      %ge3A = arith.constant 1 : i32
      %ge3A_107 = arith.cmpi sge, %add3A_106, %ge3A : i32
      %convert_element_type3A = arith.extui %ge3A_107 : i1 to i32
      %cond3A = arith.constant 0 : i32
      %cond3A_108 = arith.cmpi ne, %convert_element_type3A, %cond3A : i32
      scf.if %cond3A_108 {
        %sub3A_313 = arith.constant 1 : i32
        %sub3A_314 = arith.subi %add3A_106, %sub3A_313 : i32
        %mul3A_315 = arith.constant 80 : i32
        %mul3A_316 = arith.muli %sub3A_314, %mul3A_315 : i32
        %add3A_317 = arith.addi %mul3A_2, %mul3A_316 : i32
        %dma_wait3A_318 = arith.constant 4 : i32
        %dma_wait3A_319 = arith.constant 0 : i32
        %dma_wait3A_320 = arith.constant 0 : i32
        %dma_wait3A_321 = tpu.memref_slice %arg7[%dma_wait3A_318, %dma_wait3A_319, %dma_wait3A_320] : memref<5x80x256xf32, #tpu.memory_space<vmem>> -> memref<1x80x256xf32, #tpu.memory_space<vmem>>
        %dma_wait3A_322 = tpu.memref_squeeze %dma_wait3A_321 : memref<1x80x256xf32, #tpu.memory_space<vmem>> -> memref<80x256xf32, #tpu.memory_space<vmem>>
        %dma_wait3A_323 = arith.constant 0 : i32
        %dma_wait3A_324 = tpu.memref_slice %arg4[%add3A_317, %dma_wait3A_323] : memref<320000x256xf32, #tpu.memory_space<hbm>> -> memref<80x256xf32, #tpu.memory_space<hbm>>
        %dma_wait3A_325 = arith.constant 0 : i32
        %dma_wait3A_326 = tpu.memref_slice %arg4[%add3A_317, %dma_wait3A_325] : memref<320000x256xf32, #tpu.memory_space<hbm>> -> memref<80x256xf32, #tpu.memory_space<hbm>>
        %dma_wait3A_327 = arith.constant 0 : i32
        %dma_wait3A_328 = arith.constant 0 : i32
        %dma_wait3A_329 = tpu.memref_slice %arg7[%dma_wait3A_318, %dma_wait3A_327, %dma_wait3A_328] : memref<5x80x256xf32, #tpu.memory_space<vmem>> -> memref<1x80x256xf32, #tpu.memory_space<vmem>>
        %dma_wait3A_330 = tpu.memref_squeeze %dma_wait3A_329 : memref<1x80x256xf32, #tpu.memory_space<vmem>> -> memref<80x256xf32, #tpu.memory_space<vmem>>
        tpu.wait_dma2 semaphore(%arg17 : memref<!tpu.dma_semaphore, #tpu.memory_space<semaphore_mem>>) src(%dma_wait3A_330 : memref<80x256xf32, #tpu.memory_space<vmem>>) dst(%dma_wait3A_326 : memref<80x256xf32, #tpu.memory_space<hbm>>)
      } else {
      }
      %add3A_109 = arith.constant 5 : i32
      %add3A_110 = arith.addi %add3A_106, %add3A_109 : i32
      %sub3A = arith.constant 1 : i32
      %sub3A_111 = arith.subi %add3A_110, %sub3A : i32
      %lt3A = arith.constant 125 : i32
      %lt3A_112 = arith.cmpi slt, %sub3A_111, %lt3A : i32
      %convert_element_type3A_113 = arith.extui %lt3A_112 : i1 to i32
      %cond3A_114 = arith.constant 0 : i32
      %cond3A_115 = arith.cmpi ne, %convert_element_type3A_113, %cond3A_114 : i32
      scf.if %cond3A_115 {
        %mul3A_313 = arith.constant 80 : i32
        %mul3A_314 = arith.muli %sub3A_111, %mul3A_313 : i32
        %dma_start3A_315 = arith.constant 4 : i32
        %dma_start3A_316 = arith.constant 0 : i32
        %dma_start3A_317 = arith.constant 0 : i32
        %dma_start3A_318 = tpu.memref_slice %arg7[%dma_start3A_315, %dma_start3A_316, %dma_start3A_317] : memref<5x80x256xf32, #tpu.memory_space<vmem>> -> memref<1x80x128xf32, #tpu.memory_space<vmem>>
        %dma_start3A_319 = tpu.memref_squeeze %dma_start3A_318 : memref<1x80x128xf32, #tpu.memory_space<vmem>> -> memref<80x128xf32, #tpu.memory_space<vmem>>
        %dma_start3A_320 = tpu.memref_slice %arg5[%mul3A_314] : memref<10000xi32, #tpu.memory_space<vmem>> -> memref<80xi32, #tpu.memory_space<vmem>>
        %dma_start3A_321 = arith.constant 0 : i32
        %dma_start3A_322 = arith.constant 0 : i32
        %dma_start3A_323 = tpu.memref_slice %arg2[%dma_start3A_321, %dma_start3A_322] : memref<10000x128xf32, #tpu.memory_space<hbm>> -> memref<10000x128xf32, #tpu.memory_space<hbm>>
        tpu.enqueue_indirect_dma source(%dma_start3A_323 : memref<10000x128xf32, #tpu.memory_space<hbm>>) target(%dma_start3A_319 : memref<80x128xf32, #tpu.memory_space<vmem>>) offsets(%dma_start3A_320 : memref<80xi32, #tpu.memory_space<vmem>>) semaphore(%arg12 : memref<!tpu.dma_semaphore, #tpu.memory_space<semaphore_mem>>)
        %dma_start3A_324 = arith.constant 4 : i32
        %dma_start3A_325 = arith.constant 0 : i32
        %dma_start3A_326 = arith.constant 128 : i32
        %dma_start3A_327 = tpu.memref_slice %arg7[%dma_start3A_324, %dma_start3A_325, %dma_start3A_326] : memref<5x80x256xf32, #tpu.memory_space<vmem>> -> memref<1x80x128xf32, #tpu.memory_space<vmem>>
        %dma_start3A_328 = tpu.memref_squeeze %dma_start3A_327 : memref<1x80x128xf32, #tpu.memory_space<vmem>> -> memref<80x128xf32, #tpu.memory_space<vmem>>
        %dma_start3A_329 = tpu.memref_slice %arg6[%mul3A_314] : memref<10000xi32, #tpu.memory_space<vmem>> -> memref<80xi32, #tpu.memory_space<vmem>>
        %dma_start3A_330 = arith.constant 0 : i32
        %dma_start3A_331 = arith.constant 0 : i32
        %dma_start3A_332 = tpu.memref_slice %arg2[%dma_start3A_330, %dma_start3A_331] : memref<10000x128xf32, #tpu.memory_space<hbm>> -> memref<10000x128xf32, #tpu.memory_space<hbm>>
        tpu.enqueue_indirect_dma source(%dma_start3A_332 : memref<10000x128xf32, #tpu.memory_space<hbm>>) target(%dma_start3A_328 : memref<80x128xf32, #tpu.memory_space<vmem>>) offsets(%dma_start3A_329 : memref<80xi32, #tpu.memory_space<vmem>>) semaphore(%arg12 : memref<!tpu.dma_semaphore, #tpu.memory_space<semaphore_mem>>)
      } else {
      }
      %dma_wait3A_116 = arith.constant 0 : i32
      %dma_wait3A_117 = arith.constant 0 : i32
      %dma_wait3A_118 = arith.constant 0 : i32
      %dma_wait3A_119 = tpu.memref_slice %arg7[%dma_wait3A_116, %dma_wait3A_117, %dma_wait3A_118] : memref<5x80x256xf32, #tpu.memory_space<vmem>> -> memref<1x80x256xf32, #tpu.memory_space<vmem>>
      %dma_wait3A_120 = tpu.memref_squeeze %dma_wait3A_119 : memref<1x80x256xf32, #tpu.memory_space<vmem>> -> memref<80x256xf32, #tpu.memory_space<vmem>>
      %dma_wait3A_121 = arith.constant 0 : i32
      %dma_wait3A_122 = arith.constant 0 : i32
      %dma_wait3A_123 = tpu.memref_slice %arg7[%dma_wait3A_116, %dma_wait3A_121, %dma_wait3A_122] : memref<5x80x256xf32, #tpu.memory_space<vmem>> -> memref<1x80x256xf32, #tpu.memory_space<vmem>>
      %dma_wait3A_124 = tpu.memref_squeeze %dma_wait3A_123 : memref<1x80x256xf32, #tpu.memory_space<vmem>> -> memref<80x256xf32, #tpu.memory_space<vmem>>
      tpu.wait_dma2 semaphore(%arg8 : memref<!tpu.dma_semaphore, #tpu.memory_space<semaphore_mem>>) src(%arg2 : memref<10000x128xf32, #tpu.memory_space<hbm>>) dst(%dma_wait3A_124 : memref<80x256xf32, #tpu.memory_space<vmem>>)
      %mul3A_125 = arith.constant 80 : i32
      %mul3A_126 = arith.muli %add3A_106, %mul3A_125 : i32
      %add3A_127 = arith.addi %mul3A_2, %mul3A_126 : i32
      %dma_start3A_128 = arith.constant 0 : i32
      %dma_start3A_129 = arith.constant 0 : i32
      %dma_start3A_130 = arith.constant 0 : i32
      %dma_start3A_131 = tpu.memref_slice %arg7[%dma_start3A_128, %dma_start3A_129, %dma_start3A_130] : memref<5x80x256xf32, #tpu.memory_space<vmem>> -> memref<1x80x256xf32, #tpu.memory_space<vmem>>
      %dma_start3A_132 = tpu.memref_squeeze %dma_start3A_131 : memref<1x80x256xf32, #tpu.memory_space<vmem>> -> memref<80x256xf32, #tpu.memory_space<vmem>>
      %dma_start3A_133 = arith.constant 0 : i32
      %dma_start3A_134 = tpu.memref_slice %arg4[%add3A_127, %dma_start3A_133] : memref<320000x256xf32, #tpu.memory_space<hbm>> -> memref<80x256xf32, #tpu.memory_space<hbm>>
      %dma_start3A_135 = arith.constant 0 : i32
      %dma_start3A_136 = tpu.memref_slice %arg4[%add3A_127, %dma_start3A_135] : memref<320000x256xf32, #tpu.memory_space<hbm>> -> memref<80x256xf32, #tpu.memory_space<hbm>>
      %dma_start3A_137 = arith.constant 0 : i32
      %dma_start3A_138 = arith.constant 0 : i32
      %dma_start3A_139 = tpu.memref_slice %arg7[%dma_start3A_128, %dma_start3A_137, %dma_start3A_138] : memref<5x80x256xf32, #tpu.memory_space<vmem>> -> memref<1x80x256xf32, #tpu.memory_space<vmem>>
      %dma_start3A_140 = tpu.memref_squeeze %dma_start3A_139 : memref<1x80x256xf32, #tpu.memory_space<vmem>> -> memref<80x256xf32, #tpu.memory_space<vmem>>
      tpu.enqueue_dma source(%dma_start3A_140 : memref<80x256xf32, #tpu.memory_space<vmem>>) target(%dma_start3A_136 : memref<80x256xf32, #tpu.memory_space<hbm>>) target_semaphore(%arg13 : memref<!tpu.dma_semaphore, #tpu.memory_space<semaphore_mem>>)
      %mul3A_141 = arith.constant 5 : i32
      %mul3A_142 = arith.muli %scan3A_102, %mul3A_141 : i32
      %add3A_143 = arith.constant 1 : i32
      %add3A_144 = arith.addi %mul3A_142, %add3A_143 : i32
      %ge3A_145 = arith.constant 1 : i32
      %ge3A_146 = arith.cmpi sge, %add3A_144, %ge3A_145 : i32
      %convert_element_type3A_147 = arith.extui %ge3A_146 : i1 to i32
      %cond3A_148 = arith.constant 0 : i32
      %cond3A_149 = arith.cmpi ne, %convert_element_type3A_147, %cond3A_148 : i32
      scf.if %cond3A_149 {
        %sub3A_313 = arith.constant 1 : i32
        %sub3A_314 = arith.subi %add3A_144, %sub3A_313 : i32
        %mul3A_315 = arith.constant 80 : i32
        %mul3A_316 = arith.muli %sub3A_314, %mul3A_315 : i32
        %add3A_317 = arith.addi %mul3A_2, %mul3A_316 : i32
        %dma_wait3A_318 = arith.constant 0 : i32
        %dma_wait3A_319 = arith.constant 0 : i32
        %dma_wait3A_320 = arith.constant 0 : i32
        %dma_wait3A_321 = tpu.memref_slice %arg7[%dma_wait3A_318, %dma_wait3A_319, %dma_wait3A_320] : memref<5x80x256xf32, #tpu.memory_space<vmem>> -> memref<1x80x256xf32, #tpu.memory_space<vmem>>
        %dma_wait3A_322 = tpu.memref_squeeze %dma_wait3A_321 : memref<1x80x256xf32, #tpu.memory_space<vmem>> -> memref<80x256xf32, #tpu.memory_space<vmem>>
        %dma_wait3A_323 = arith.constant 0 : i32
        %dma_wait3A_324 = tpu.memref_slice %arg4[%add3A_317, %dma_wait3A_323] : memref<320000x256xf32, #tpu.memory_space<hbm>> -> memref<80x256xf32, #tpu.memory_space<hbm>>
        %dma_wait3A_325 = arith.constant 0 : i32
        %dma_wait3A_326 = tpu.memref_slice %arg4[%add3A_317, %dma_wait3A_325] : memref<320000x256xf32, #tpu.memory_space<hbm>> -> memref<80x256xf32, #tpu.memory_space<hbm>>
        %dma_wait3A_327 = arith.constant 0 : i32
        %dma_wait3A_328 = arith.constant 0 : i32
        %dma_wait3A_329 = tpu.memref_slice %arg7[%dma_wait3A_318, %dma_wait3A_327, %dma_wait3A_328] : memref<5x80x256xf32, #tpu.memory_space<vmem>> -> memref<1x80x256xf32, #tpu.memory_space<vmem>>
        %dma_wait3A_330 = tpu.memref_squeeze %dma_wait3A_329 : memref<1x80x256xf32, #tpu.memory_space<vmem>> -> memref<80x256xf32, #tpu.memory_space<vmem>>
        tpu.wait_dma2 semaphore(%arg13 : memref<!tpu.dma_semaphore, #tpu.memory_space<semaphore_mem>>) src(%dma_wait3A_330 : memref<80x256xf32, #tpu.memory_space<vmem>>) dst(%dma_wait3A_326 : memref<80x256xf32, #tpu.memory_space<hbm>>)
      } else {
      }
      %add3A_150 = arith.constant 5 : i32
      %add3A_151 = arith.addi %add3A_144, %add3A_150 : i32
      %sub3A_152 = arith.constant 1 : i32
      %sub3A_153 = arith.subi %add3A_151, %sub3A_152 : i32
      %lt3A_154 = arith.constant 125 : i32
      %lt3A_155 = arith.cmpi slt, %sub3A_153, %lt3A_154 : i32
      %convert_element_type3A_156 = arith.extui %lt3A_155 : i1 to i32
      %cond3A_157 = arith.constant 0 : i32
      %cond3A_158 = arith.cmpi ne, %convert_element_type3A_156, %cond3A_157 : i32
      scf.if %cond3A_158 {
        %mul3A_313 = arith.constant 80 : i32
        %mul3A_314 = arith.muli %sub3A_153, %mul3A_313 : i32
        %dma_start3A_315 = arith.constant 0 : i32
        %dma_start3A_316 = arith.constant 0 : i32
        %dma_start3A_317 = arith.constant 0 : i32
        %dma_start3A_318 = tpu.memref_slice %arg7[%dma_start3A_315, %dma_start3A_316, %dma_start3A_317] : memref<5x80x256xf32, #tpu.memory_space<vmem>> -> memref<1x80x128xf32, #tpu.memory_space<vmem>>
        %dma_start3A_319 = tpu.memref_squeeze %dma_start3A_318 : memref<1x80x128xf32, #tpu.memory_space<vmem>> -> memref<80x128xf32, #tpu.memory_space<vmem>>
        %dma_start3A_320 = tpu.memref_slice %arg5[%mul3A_314] : memref<10000xi32, #tpu.memory_space<vmem>> -> memref<80xi32, #tpu.memory_space<vmem>>
        %dma_start3A_321 = arith.constant 0 : i32
        %dma_start3A_322 = arith.constant 0 : i32
        %dma_start3A_323 = tpu.memref_slice %arg2[%dma_start3A_321, %dma_start3A_322] : memref<10000x128xf32, #tpu.memory_space<hbm>> -> memref<10000x128xf32, #tpu.memory_space<hbm>>
        tpu.enqueue_indirect_dma source(%dma_start3A_323 : memref<10000x128xf32, #tpu.memory_space<hbm>>) target(%dma_start3A_319 : memref<80x128xf32, #tpu.memory_space<vmem>>) offsets(%dma_start3A_320 : memref<80xi32, #tpu.memory_space<vmem>>) semaphore(%arg8 : memref<!tpu.dma_semaphore, #tpu.memory_space<semaphore_mem>>)
        %dma_start3A_324 = arith.constant 0 : i32
        %dma_start3A_325 = arith.constant 0 : i32
        %dma_start3A_326 = arith.constant 128 : i32
        %dma_start3A_327 = tpu.memref_slice %arg7[%dma_start3A_324, %dma_start3A_325, %dma_start3A_326] : memref<5x80x256xf32, #tpu.memory_space<vmem>> -> memref<1x80x128xf32, #tpu.memory_space<vmem>>
        %dma_start3A_328 = tpu.memref_squeeze %dma_start3A_327 : memref<1x80x128xf32, #tpu.memory_space<vmem>> -> memref<80x128xf32, #tpu.memory_space<vmem>>
        %dma_start3A_329 = tpu.memref_slice %arg6[%mul3A_314] : memref<10000xi32, #tpu.memory_space<vmem>> -> memref<80xi32, #tpu.memory_space<vmem>>
        %dma_start3A_330 = arith.constant 0 : i32
        %dma_start3A_331 = arith.constant 0 : i32
        %dma_start3A_332 = tpu.memref_slice %arg2[%dma_start3A_330, %dma_start3A_331] : memref<10000x128xf32, #tpu.memory_space<hbm>> -> memref<10000x128xf32, #tpu.memory_space<hbm>>
        tpu.enqueue_indirect_dma source(%dma_start3A_332 : memref<10000x128xf32, #tpu.memory_space<hbm>>) target(%dma_start3A_328 : memref<80x128xf32, #tpu.memory_space<vmem>>) offsets(%dma_start3A_329 : memref<80xi32, #tpu.memory_space<vmem>>) semaphore(%arg8 : memref<!tpu.dma_semaphore, #tpu.memory_space<semaphore_mem>>)
      } else {
      }
      %dma_wait3A_159 = arith.constant 1 : i32
      %dma_wait3A_160 = arith.constant 0 : i32
      %dma_wait3A_161 = arith.constant 0 : i32
      %dma_wait3A_162 = tpu.memref_slice %arg7[%dma_wait3A_159, %dma_wait3A_160, %dma_wait3A_161] : memref<5x80x256xf32, #tpu.memory_space<vmem>> -> memref<1x80x256xf32, #tpu.memory_space<vmem>>
      %dma_wait3A_163 = tpu.memref_squeeze %dma_wait3A_162 : memref<1x80x256xf32, #tpu.memory_space<vmem>> -> memref<80x256xf32, #tpu.memory_space<vmem>>
      %dma_wait3A_164 = arith.constant 0 : i32
      %dma_wait3A_165 = arith.constant 0 : i32
      %dma_wait3A_166 = tpu.memref_slice %arg7[%dma_wait3A_159, %dma_wait3A_164, %dma_wait3A_165] : memref<5x80x256xf32, #tpu.memory_space<vmem>> -> memref<1x80x256xf32, #tpu.memory_space<vmem>>
      %dma_wait3A_167 = tpu.memref_squeeze %dma_wait3A_166 : memref<1x80x256xf32, #tpu.memory_space<vmem>> -> memref<80x256xf32, #tpu.memory_space<vmem>>
      tpu.wait_dma2 semaphore(%arg9 : memref<!tpu.dma_semaphore, #tpu.memory_space<semaphore_mem>>) src(%arg2 : memref<10000x128xf32, #tpu.memory_space<hbm>>) dst(%dma_wait3A_167 : memref<80x256xf32, #tpu.memory_space<vmem>>)
      %mul3A_168 = arith.constant 80 : i32
      %mul3A_169 = arith.muli %add3A_144, %mul3A_168 : i32
      %add3A_170 = arith.addi %mul3A_2, %mul3A_169 : i32
      %dma_start3A_171 = arith.constant 1 : i32
      %dma_start3A_172 = arith.constant 0 : i32
      %dma_start3A_173 = arith.constant 0 : i32
      %dma_start3A_174 = tpu.memref_slice %arg7[%dma_start3A_171, %dma_start3A_172, %dma_start3A_173] : memref<5x80x256xf32, #tpu.memory_space<vmem>> -> memref<1x80x256xf32, #tpu.memory_space<vmem>>
      %dma_start3A_175 = tpu.memref_squeeze %dma_start3A_174 : memref<1x80x256xf32, #tpu.memory_space<vmem>> -> memref<80x256xf32, #tpu.memory_space<vmem>>
      %dma_start3A_176 = arith.constant 0 : i32
      %dma_start3A_177 = tpu.memref_slice %arg4[%add3A_170, %dma_start3A_176] : memref<320000x256xf32, #tpu.memory_space<hbm>> -> memref<80x256xf32, #tpu.memory_space<hbm>>
      %dma_start3A_178 = arith.constant 0 : i32
      %dma_start3A_179 = tpu.memref_slice %arg4[%add3A_170, %dma_start3A_178] : memref<320000x256xf32, #tpu.memory_space<hbm>> -> memref<80x256xf32, #tpu.memory_space<hbm>>
      %dma_start3A_180 = arith.constant 0 : i32
      %dma_start3A_181 = arith.constant 0 : i32
      %dma_start3A_182 = tpu.memref_slice %arg7[%dma_start3A_171, %dma_start3A_180, %dma_start3A_181] : memref<5x80x256xf32, #tpu.memory_space<vmem>> -> memref<1x80x256xf32, #tpu.memory_space<vmem>>
      %dma_start3A_183 = tpu.memref_squeeze %dma_start3A_182 : memref<1x80x256xf32, #tpu.memory_space<vmem>> -> memref<80x256xf32, #tpu.memory_space<vmem>>
      tpu.enqueue_dma source(%dma_start3A_183 : memref<80x256xf32, #tpu.memory_space<vmem>>) target(%dma_start3A_179 : memref<80x256xf32, #tpu.memory_space<hbm>>) target_semaphore(%arg14 : memref<!tpu.dma_semaphore, #tpu.memory_space<semaphore_mem>>)
      %mul3A_184 = arith.constant 5 : i32
      %mul3A_185 = arith.muli %scan3A_102, %mul3A_184 : i32
      %add3A_186 = arith.constant 2 : i32
      %add3A_187 = arith.addi %mul3A_185, %add3A_186 : i32
      %ge3A_188 = arith.constant 1 : i32
      %ge3A_189 = arith.cmpi sge, %add3A_187, %ge3A_188 : i32
      %convert_element_type3A_190 = arith.extui %ge3A_189 : i1 to i32
      %cond3A_191 = arith.constant 0 : i32
      %cond3A_192 = arith.cmpi ne, %convert_element_type3A_190, %cond3A_191 : i32
      scf.if %cond3A_192 {
        %sub3A_313 = arith.constant 1 : i32
        %sub3A_314 = arith.subi %add3A_187, %sub3A_313 : i32
        %mul3A_315 = arith.constant 80 : i32
        %mul3A_316 = arith.muli %sub3A_314, %mul3A_315 : i32
        %add3A_317 = arith.addi %mul3A_2, %mul3A_316 : i32
        %dma_wait3A_318 = arith.constant 1 : i32
        %dma_wait3A_319 = arith.constant 0 : i32
        %dma_wait3A_320 = arith.constant 0 : i32
        %dma_wait3A_321 = tpu.memref_slice %arg7[%dma_wait3A_318, %dma_wait3A_319, %dma_wait3A_320] : memref<5x80x256xf32, #tpu.memory_space<vmem>> -> memref<1x80x256xf32, #tpu.memory_space<vmem>>
        %dma_wait3A_322 = tpu.memref_squeeze %dma_wait3A_321 : memref<1x80x256xf32, #tpu.memory_space<vmem>> -> memref<80x256xf32, #tpu.memory_space<vmem>>
        %dma_wait3A_323 = arith.constant 0 : i32
        %dma_wait3A_324 = tpu.memref_slice %arg4[%add3A_317, %dma_wait3A_323] : memref<320000x256xf32, #tpu.memory_space<hbm>> -> memref<80x256xf32, #tpu.memory_space<hbm>>
        %dma_wait3A_325 = arith.constant 0 : i32
        %dma_wait3A_326 = tpu.memref_slice %arg4[%add3A_317, %dma_wait3A_325] : memref<320000x256xf32, #tpu.memory_space<hbm>> -> memref<80x256xf32, #tpu.memory_space<hbm>>
        %dma_wait3A_327 = arith.constant 0 : i32
        %dma_wait3A_328 = arith.constant 0 : i32
        %dma_wait3A_329 = tpu.memref_slice %arg7[%dma_wait3A_318, %dma_wait3A_327, %dma_wait3A_328] : memref<5x80x256xf32, #tpu.memory_space<vmem>> -> memref<1x80x256xf32, #tpu.memory_space<vmem>>
        %dma_wait3A_330 = tpu.memref_squeeze %dma_wait3A_329 : memref<1x80x256xf32, #tpu.memory_space<vmem>> -> memref<80x256xf32, #tpu.memory_space<vmem>>
        tpu.wait_dma2 semaphore(%arg14 : memref<!tpu.dma_semaphore, #tpu.memory_space<semaphore_mem>>) src(%dma_wait3A_330 : memref<80x256xf32, #tpu.memory_space<vmem>>) dst(%dma_wait3A_326 : memref<80x256xf32, #tpu.memory_space<hbm>>)
      } else {
      }
      %add3A_193 = arith.constant 5 : i32
      %add3A_194 = arith.addi %add3A_187, %add3A_193 : i32
      %sub3A_195 = arith.constant 1 : i32
      %sub3A_196 = arith.subi %add3A_194, %sub3A_195 : i32
      %lt3A_197 = arith.constant 125 : i32
      %lt3A_198 = arith.cmpi slt, %sub3A_196, %lt3A_197 : i32
      %convert_element_type3A_199 = arith.extui %lt3A_198 : i1 to i32
      %cond3A_200 = arith.constant 0 : i32
      %cond3A_201 = arith.cmpi ne, %convert_element_type3A_199, %cond3A_200 : i32
      scf.if %cond3A_201 {
        %mul3A_313 = arith.constant 80 : i32
        %mul3A_314 = arith.muli %sub3A_196, %mul3A_313 : i32
        %dma_start3A_315 = arith.constant 1 : i32
        %dma_start3A_316 = arith.constant 0 : i32
        %dma_start3A_317 = arith.constant 0 : i32
        %dma_start3A_318 = tpu.memref_slice %arg7[%dma_start3A_315, %dma_start3A_316, %dma_start3A_317] : memref<5x80x256xf32, #tpu.memory_space<vmem>> -> memref<1x80x128xf32, #tpu.memory_space<vmem>>
        %dma_start3A_319 = tpu.memref_squeeze %dma_start3A_318 : memref<1x80x128xf32, #tpu.memory_space<vmem>> -> memref<80x128xf32, #tpu.memory_space<vmem>>
        %dma_start3A_320 = tpu.memref_slice %arg5[%mul3A_314] : memref<10000xi32, #tpu.memory_space<vmem>> -> memref<80xi32, #tpu.memory_space<vmem>>
        %dma_start3A_321 = arith.constant 0 : i32
        %dma_start3A_322 = arith.constant 0 : i32
        %dma_start3A_323 = tpu.memref_slice %arg2[%dma_start3A_321, %dma_start3A_322] : memref<10000x128xf32, #tpu.memory_space<hbm>> -> memref<10000x128xf32, #tpu.memory_space<hbm>>
        tpu.enqueue_indirect_dma source(%dma_start3A_323 : memref<10000x128xf32, #tpu.memory_space<hbm>>) target(%dma_start3A_319 : memref<80x128xf32, #tpu.memory_space<vmem>>) offsets(%dma_start3A_320 : memref<80xi32, #tpu.memory_space<vmem>>) semaphore(%arg9 : memref<!tpu.dma_semaphore, #tpu.memory_space<semaphore_mem>>)
        %dma_start3A_324 = arith.constant 1 : i32
        %dma_start3A_325 = arith.constant 0 : i32
        %dma_start3A_326 = arith.constant 128 : i32
        %dma_start3A_327 = tpu.memref_slice %arg7[%dma_start3A_324, %dma_start3A_325, %dma_start3A_326] : memref<5x80x256xf32, #tpu.memory_space<vmem>> -> memref<1x80x128xf32, #tpu.memory_space<vmem>>
        %dma_start3A_328 = tpu.memref_squeeze %dma_start3A_327 : memref<1x80x128xf32, #tpu.memory_space<vmem>> -> memref<80x128xf32, #tpu.memory_space<vmem>>
        %dma_start3A_329 = tpu.memref_slice %arg6[%mul3A_314] : memref<10000xi32, #tpu.memory_space<vmem>> -> memref<80xi32, #tpu.memory_space<vmem>>
        %dma_start3A_330 = arith.constant 0 : i32
        %dma_start3A_331 = arith.constant 0 : i32
        %dma_start3A_332 = tpu.memref_slice %arg2[%dma_start3A_330, %dma_start3A_331] : memref<10000x128xf32, #tpu.memory_space<hbm>> -> memref<10000x128xf32, #tpu.memory_space<hbm>>
        tpu.enqueue_indirect_dma source(%dma_start3A_332 : memref<10000x128xf32, #tpu.memory_space<hbm>>) target(%dma_start3A_328 : memref<80x128xf32, #tpu.memory_space<vmem>>) offsets(%dma_start3A_329 : memref<80xi32, #tpu.memory_space<vmem>>) semaphore(%arg9 : memref<!tpu.dma_semaphore, #tpu.memory_space<semaphore_mem>>)
      } else {
      }
      %dma_wait3A_202 = arith.constant 2 : i32
      %dma_wait3A_203 = arith.constant 0 : i32
      %dma_wait3A_204 = arith.constant 0 : i32
      %dma_wait3A_205 = tpu.memref_slice %arg7[%dma_wait3A_202, %dma_wait3A_203, %dma_wait3A_204] : memref<5x80x256xf32, #tpu.memory_space<vmem>> -> memref<1x80x256xf32, #tpu.memory_space<vmem>>
      %dma_wait3A_206 = tpu.memref_squeeze %dma_wait3A_205 : memref<1x80x256xf32, #tpu.memory_space<vmem>> -> memref<80x256xf32, #tpu.memory_space<vmem>>
      %dma_wait3A_207 = arith.constant 0 : i32
      %dma_wait3A_208 = arith.constant 0 : i32
      %dma_wait3A_209 = tpu.memref_slice %arg7[%dma_wait3A_202, %dma_wait3A_207, %dma_wait3A_208] : memref<5x80x256xf32, #tpu.memory_space<vmem>> -> memref<1x80x256xf32, #tpu.memory_space<vmem>>
      %dma_wait3A_210 = tpu.memref_squeeze %dma_wait3A_209 : memref<1x80x256xf32, #tpu.memory_space<vmem>> -> memref<80x256xf32, #tpu.memory_space<vmem>>
      tpu.wait_dma2 semaphore(%arg10 : memref<!tpu.dma_semaphore, #tpu.memory_space<semaphore_mem>>) src(%arg2 : memref<10000x128xf32, #tpu.memory_space<hbm>>) dst(%dma_wait3A_210 : memref<80x256xf32, #tpu.memory_space<vmem>>)
      %mul3A_211 = arith.constant 80 : i32
      %mul3A_212 = arith.muli %add3A_187, %mul3A_211 : i32
      %add3A_213 = arith.addi %mul3A_2, %mul3A_212 : i32
      %dma_start3A_214 = arith.constant 2 : i32
      %dma_start3A_215 = arith.constant 0 : i32
      %dma_start3A_216 = arith.constant 0 : i32
      %dma_start3A_217 = tpu.memref_slice %arg7[%dma_start3A_214, %dma_start3A_215, %dma_start3A_216] : memref<5x80x256xf32, #tpu.memory_space<vmem>> -> memref<1x80x256xf32, #tpu.memory_space<vmem>>
      %dma_start3A_218 = tpu.memref_squeeze %dma_start3A_217 : memref<1x80x256xf32, #tpu.memory_space<vmem>> -> memref<80x256xf32, #tpu.memory_space<vmem>>
      %dma_start3A_219 = arith.constant 0 : i32
      %dma_start3A_220 = tpu.memref_slice %arg4[%add3A_213, %dma_start3A_219] : memref<320000x256xf32, #tpu.memory_space<hbm>> -> memref<80x256xf32, #tpu.memory_space<hbm>>
      %dma_start3A_221 = arith.constant 0 : i32
      %dma_start3A_222 = tpu.memref_slice %arg4[%add3A_213, %dma_start3A_221] : memref<320000x256xf32, #tpu.memory_space<hbm>> -> memref<80x256xf32, #tpu.memory_space<hbm>>
      %dma_start3A_223 = arith.constant 0 : i32
      %dma_start3A_224 = arith.constant 0 : i32
      %dma_start3A_225 = tpu.memref_slice %arg7[%dma_start3A_214, %dma_start3A_223, %dma_start3A_224] : memref<5x80x256xf32, #tpu.memory_space<vmem>> -> memref<1x80x256xf32, #tpu.memory_space<vmem>>
      %dma_start3A_226 = tpu.memref_squeeze %dma_start3A_225 : memref<1x80x256xf32, #tpu.memory_space<vmem>> -> memref<80x256xf32, #tpu.memory_space<vmem>>
      tpu.enqueue_dma source(%dma_start3A_226 : memref<80x256xf32, #tpu.memory_space<vmem>>) target(%dma_start3A_222 : memref<80x256xf32, #tpu.memory_space<hbm>>) target_semaphore(%arg15 : memref<!tpu.dma_semaphore, #tpu.memory_space<semaphore_mem>>)
      %mul3A_227 = arith.constant 5 : i32
      %mul3A_228 = arith.muli %scan3A_102, %mul3A_227 : i32
      %add3A_229 = arith.constant 3 : i32
      %add3A_230 = arith.addi %mul3A_228, %add3A_229 : i32
      %ge3A_231 = arith.constant 1 : i32
      %ge3A_232 = arith.cmpi sge, %add3A_230, %ge3A_231 : i32
      %convert_element_type3A_233 = arith.extui %ge3A_232 : i1 to i32
      %cond3A_234 = arith.constant 0 : i32
      %cond3A_235 = arith.cmpi ne, %convert_element_type3A_233, %cond3A_234 : i32
      scf.if %cond3A_235 {
        %sub3A_313 = arith.constant 1 : i32
        %sub3A_314 = arith.subi %add3A_230, %sub3A_313 : i32
        %mul3A_315 = arith.constant 80 : i32
        %mul3A_316 = arith.muli %sub3A_314, %mul3A_315 : i32
        %add3A_317 = arith.addi %mul3A_2, %mul3A_316 : i32
        %dma_wait3A_318 = arith.constant 2 : i32
        %dma_wait3A_319 = arith.constant 0 : i32
        %dma_wait3A_320 = arith.constant 0 : i32
        %dma_wait3A_321 = tpu.memref_slice %arg7[%dma_wait3A_318, %dma_wait3A_319, %dma_wait3A_320] : memref<5x80x256xf32, #tpu.memory_space<vmem>> -> memref<1x80x256xf32, #tpu.memory_space<vmem>>
        %dma_wait3A_322 = tpu.memref_squeeze %dma_wait3A_321 : memref<1x80x256xf32, #tpu.memory_space<vmem>> -> memref<80x256xf32, #tpu.memory_space<vmem>>
        %dma_wait3A_323 = arith.constant 0 : i32
        %dma_wait3A_324 = tpu.memref_slice %arg4[%add3A_317, %dma_wait3A_323] : memref<320000x256xf32, #tpu.memory_space<hbm>> -> memref<80x256xf32, #tpu.memory_space<hbm>>
        %dma_wait3A_325 = arith.constant 0 : i32
        %dma_wait3A_326 = tpu.memref_slice %arg4[%add3A_317, %dma_wait3A_325] : memref<320000x256xf32, #tpu.memory_space<hbm>> -> memref<80x256xf32, #tpu.memory_space<hbm>>
        %dma_wait3A_327 = arith.constant 0 : i32
        %dma_wait3A_328 = arith.constant 0 : i32
        %dma_wait3A_329 = tpu.memref_slice %arg7[%dma_wait3A_318, %dma_wait3A_327, %dma_wait3A_328] : memref<5x80x256xf32, #tpu.memory_space<vmem>> -> memref<1x80x256xf32, #tpu.memory_space<vmem>>
        %dma_wait3A_330 = tpu.memref_squeeze %dma_wait3A_329 : memref<1x80x256xf32, #tpu.memory_space<vmem>> -> memref<80x256xf32, #tpu.memory_space<vmem>>
        tpu.wait_dma2 semaphore(%arg15 : memref<!tpu.dma_semaphore, #tpu.memory_space<semaphore_mem>>) src(%dma_wait3A_330 : memref<80x256xf32, #tpu.memory_space<vmem>>) dst(%dma_wait3A_326 : memref<80x256xf32, #tpu.memory_space<hbm>>)
      } else {
      }
      %add3A_236 = arith.constant 5 : i32
      %add3A_237 = arith.addi %add3A_230, %add3A_236 : i32
      %sub3A_238 = arith.constant 1 : i32
      %sub3A_239 = arith.subi %add3A_237, %sub3A_238 : i32
      %lt3A_240 = arith.constant 125 : i32
      %lt3A_241 = arith.cmpi slt, %sub3A_239, %lt3A_240 : i32
      %convert_element_type3A_242 = arith.extui %lt3A_241 : i1 to i32
      %cond3A_243 = arith.constant 0 : i32
      %cond3A_244 = arith.cmpi ne, %convert_element_type3A_242, %cond3A_243 : i32
      scf.if %cond3A_244 {
        %mul3A_313 = arith.constant 80 : i32
        %mul3A_314 = arith.muli %sub3A_239, %mul3A_313 : i32
        %dma_start3A_315 = arith.constant 2 : i32
        %dma_start3A_316 = arith.constant 0 : i32
        %dma_start3A_317 = arith.constant 0 : i32
        %dma_start3A_318 = tpu.memref_slice %arg7[%dma_start3A_315, %dma_start3A_316, %dma_start3A_317] : memref<5x80x256xf32, #tpu.memory_space<vmem>> -> memref<1x80x128xf32, #tpu.memory_space<vmem>>
        %dma_start3A_319 = tpu.memref_squeeze %dma_start3A_318 : memref<1x80x128xf32, #tpu.memory_space<vmem>> -> memref<80x128xf32, #tpu.memory_space<vmem>>
        %dma_start3A_320 = tpu.memref_slice %arg5[%mul3A_314] : memref<10000xi32, #tpu.memory_space<vmem>> -> memref<80xi32, #tpu.memory_space<vmem>>
        %dma_start3A_321 = arith.constant 0 : i32
        %dma_start3A_322 = arith.constant 0 : i32
        %dma_start3A_323 = tpu.memref_slice %arg2[%dma_start3A_321, %dma_start3A_322] : memref<10000x128xf32, #tpu.memory_space<hbm>> -> memref<10000x128xf32, #tpu.memory_space<hbm>>
        tpu.enqueue_indirect_dma source(%dma_start3A_323 : memref<10000x128xf32, #tpu.memory_space<hbm>>) target(%dma_start3A_319 : memref<80x128xf32, #tpu.memory_space<vmem>>) offsets(%dma_start3A_320 : memref<80xi32, #tpu.memory_space<vmem>>) semaphore(%arg10 : memref<!tpu.dma_semaphore, #tpu.memory_space<semaphore_mem>>)
        %dma_start3A_324 = arith.constant 2 : i32
        %dma_start3A_325 = arith.constant 0 : i32
        %dma_start3A_326 = arith.constant 128 : i32
        %dma_start3A_327 = tpu.memref_slice %arg7[%dma_start3A_324, %dma_start3A_325, %dma_start3A_326] : memref<5x80x256xf32, #tpu.memory_space<vmem>> -> memref<1x80x128xf32, #tpu.memory_space<vmem>>
        %dma_start3A_328 = tpu.memref_squeeze %dma_start3A_327 : memref<1x80x128xf32, #tpu.memory_space<vmem>> -> memref<80x128xf32, #tpu.memory_space<vmem>>
        %dma_start3A_329 = tpu.memref_slice %arg6[%mul3A_314] : memref<10000xi32, #tpu.memory_space<vmem>> -> memref<80xi32, #tpu.memory_space<vmem>>
        %dma_start3A_330 = arith.constant 0 : i32
        %dma_start3A_331 = arith.constant 0 : i32
        %dma_start3A_332 = tpu.memref_slice %arg2[%dma_start3A_330, %dma_start3A_331] : memref<10000x128xf32, #tpu.memory_space<hbm>> -> memref<10000x128xf32, #tpu.memory_space<hbm>>
        tpu.enqueue_indirect_dma source(%dma_start3A_332 : memref<10000x128xf32, #tpu.memory_space<hbm>>) target(%dma_start3A_328 : memref<80x128xf32, #tpu.memory_space<vmem>>) offsets(%dma_start3A_329 : memref<80xi32, #tpu.memory_space<vmem>>) semaphore(%arg10 : memref<!tpu.dma_semaphore, #tpu.memory_space<semaphore_mem>>)
      } else {
      }
      %dma_wait3A_245 = arith.constant 3 : i32
      %dma_wait3A_246 = arith.constant 0 : i32
      %dma_wait3A_247 = arith.constant 0 : i32
      %dma_wait3A_248 = tpu.memref_slice %arg7[%dma_wait3A_245, %dma_wait3A_246, %dma_wait3A_247] : memref<5x80x256xf32, #tpu.memory_space<vmem>> -> memref<1x80x256xf32, #tpu.memory_space<vmem>>
      %dma_wait3A_249 = tpu.memref_squeeze %dma_wait3A_248 : memref<1x80x256xf32, #tpu.memory_space<vmem>> -> memref<80x256xf32, #tpu.memory_space<vmem>>
      %dma_wait3A_250 = arith.constant 0 : i32
      %dma_wait3A_251 = arith.constant 0 : i32
      %dma_wait3A_252 = tpu.memref_slice %arg7[%dma_wait3A_245, %dma_wait3A_250, %dma_wait3A_251] : memref<5x80x256xf32, #tpu.memory_space<vmem>> -> memref<1x80x256xf32, #tpu.memory_space<vmem>>
      %dma_wait3A_253 = tpu.memref_squeeze %dma_wait3A_252 : memref<1x80x256xf32, #tpu.memory_space<vmem>> -> memref<80x256xf32, #tpu.memory_space<vmem>>
      tpu.wait_dma2 semaphore(%arg11 : memref<!tpu.dma_semaphore, #tpu.memory_space<semaphore_mem>>) src(%arg2 : memref<10000x128xf32, #tpu.memory_space<hbm>>) dst(%dma_wait3A_253 : memref<80x256xf32, #tpu.memory_space<vmem>>)
      %mul3A_254 = arith.constant 80 : i32
      %mul3A_255 = arith.muli %add3A_230, %mul3A_254 : i32
      %add3A_256 = arith.addi %mul3A_2, %mul3A_255 : i32
      %dma_start3A_257 = arith.constant 3 : i32
      %dma_start3A_258 = arith.constant 0 : i32
      %dma_start3A_259 = arith.constant 0 : i32
      %dma_start3A_260 = tpu.memref_slice %arg7[%dma_start3A_257, %dma_start3A_258, %dma_start3A_259] : memref<5x80x256xf32, #tpu.memory_space<vmem>> -> memref<1x80x256xf32, #tpu.memory_space<vmem>>
      %dma_start3A_261 = tpu.memref_squeeze %dma_start3A_260 : memref<1x80x256xf32, #tpu.memory_space<vmem>> -> memref<80x256xf32, #tpu.memory_space<vmem>>
      %dma_start3A_262 = arith.constant 0 : i32
      %dma_start3A_263 = tpu.memref_slice %arg4[%add3A_256, %dma_start3A_262] : memref<320000x256xf32, #tpu.memory_space<hbm>> -> memref<80x256xf32, #tpu.memory_space<hbm>>
      %dma_start3A_264 = arith.constant 0 : i32
      %dma_start3A_265 = tpu.memref_slice %arg4[%add3A_256, %dma_start3A_264] : memref<320000x256xf32, #tpu.memory_space<hbm>> -> memref<80x256xf32, #tpu.memory_space<hbm>>
      %dma_start3A_266 = arith.constant 0 : i32
      %dma_start3A_267 = arith.constant 0 : i32
      %dma_start3A_268 = tpu.memref_slice %arg7[%dma_start3A_257, %dma_start3A_266, %dma_start3A_267] : memref<5x80x256xf32, #tpu.memory_space<vmem>> -> memref<1x80x256xf32, #tpu.memory_space<vmem>>
      %dma_start3A_269 = tpu.memref_squeeze %dma_start3A_268 : memref<1x80x256xf32, #tpu.memory_space<vmem>> -> memref<80x256xf32, #tpu.memory_space<vmem>>
      tpu.enqueue_dma source(%dma_start3A_269 : memref<80x256xf32, #tpu.memory_space<vmem>>) target(%dma_start3A_265 : memref<80x256xf32, #tpu.memory_space<hbm>>) target_semaphore(%arg16 : memref<!tpu.dma_semaphore, #tpu.memory_space<semaphore_mem>>)
      %mul3A_270 = arith.constant 5 : i32
      %mul3A_271 = arith.muli %scan3A_102, %mul3A_270 : i32
      %add3A_272 = arith.constant 4 : i32
      %add3A_273 = arith.addi %mul3A_271, %add3A_272 : i32
      %ge3A_274 = arith.constant 1 : i32
      %ge3A_275 = arith.cmpi sge, %add3A_273, %ge3A_274 : i32
      %convert_element_type3A_276 = arith.extui %ge3A_275 : i1 to i32
      %cond3A_277 = arith.constant 0 : i32
      %cond3A_278 = arith.cmpi ne, %convert_element_type3A_276, %cond3A_277 : i32
      scf.if %cond3A_278 {
        %sub3A_313 = arith.constant 1 : i32
        %sub3A_314 = arith.subi %add3A_273, %sub3A_313 : i32
        %mul3A_315 = arith.constant 80 : i32
        %mul3A_316 = arith.muli %sub3A_314, %mul3A_315 : i32
        %add3A_317 = arith.addi %mul3A_2, %mul3A_316 : i32
        %dma_wait3A_318 = arith.constant 3 : i32
        %dma_wait3A_319 = arith.constant 0 : i32
        %dma_wait3A_320 = arith.constant 0 : i32
        %dma_wait3A_321 = tpu.memref_slice %arg7[%dma_wait3A_318, %dma_wait3A_319, %dma_wait3A_320] : memref<5x80x256xf32, #tpu.memory_space<vmem>> -> memref<1x80x256xf32, #tpu.memory_space<vmem>>
        %dma_wait3A_322 = tpu.memref_squeeze %dma_wait3A_321 : memref<1x80x256xf32, #tpu.memory_space<vmem>> -> memref<80x256xf32, #tpu.memory_space<vmem>>
        %dma_wait3A_323 = arith.constant 0 : i32
        %dma_wait3A_324 = tpu.memref_slice %arg4[%add3A_317, %dma_wait3A_323] : memref<320000x256xf32, #tpu.memory_space<hbm>> -> memref<80x256xf32, #tpu.memory_space<hbm>>
        %dma_wait3A_325 = arith.constant 0 : i32
        %dma_wait3A_326 = tpu.memref_slice %arg4[%add3A_317, %dma_wait3A_325] : memref<320000x256xf32, #tpu.memory_space<hbm>> -> memref<80x256xf32, #tpu.memory_space<hbm>>
        %dma_wait3A_327 = arith.constant 0 : i32
        %dma_wait3A_328 = arith.constant 0 : i32
        %dma_wait3A_329 = tpu.memref_slice %arg7[%dma_wait3A_318, %dma_wait3A_327, %dma_wait3A_328] : memref<5x80x256xf32, #tpu.memory_space<vmem>> -> memref<1x80x256xf32, #tpu.memory_space<vmem>>
        %dma_wait3A_330 = tpu.memref_squeeze %dma_wait3A_329 : memref<1x80x256xf32, #tpu.memory_space<vmem>> -> memref<80x256xf32, #tpu.memory_space<vmem>>
        tpu.wait_dma2 semaphore(%arg16 : memref<!tpu.dma_semaphore, #tpu.memory_space<semaphore_mem>>) src(%dma_wait3A_330 : memref<80x256xf32, #tpu.memory_space<vmem>>) dst(%dma_wait3A_326 : memref<80x256xf32, #tpu.memory_space<hbm>>)
      } else {
      }
      %add3A_279 = arith.constant 5 : i32
      %add3A_280 = arith.addi %add3A_273, %add3A_279 : i32
      %sub3A_281 = arith.constant 1 : i32
      %sub3A_282 = arith.subi %add3A_280, %sub3A_281 : i32
      %lt3A_283 = arith.constant 125 : i32
      %lt3A_284 = arith.cmpi slt, %sub3A_282, %lt3A_283 : i32
      %convert_element_type3A_285 = arith.extui %lt3A_284 : i1 to i32
      %cond3A_286 = arith.constant 0 : i32
      %cond3A_287 = arith.cmpi ne, %convert_element_type3A_285, %cond3A_286 : i32
      scf.if %cond3A_287 {
        %mul3A_313 = arith.constant 80 : i32
        %mul3A_314 = arith.muli %sub3A_282, %mul3A_313 : i32
        %dma_start3A_315 = arith.constant 3 : i32
        %dma_start3A_316 = arith.constant 0 : i32
        %dma_start3A_317 = arith.constant 0 : i32
        %dma_start3A_318 = tpu.memref_slice %arg7[%dma_start3A_315, %dma_start3A_316, %dma_start3A_317] : memref<5x80x256xf32, #tpu.memory_space<vmem>> -> memref<1x80x128xf32, #tpu.memory_space<vmem>>
        %dma_start3A_319 = tpu.memref_squeeze %dma_start3A_318 : memref<1x80x128xf32, #tpu.memory_space<vmem>> -> memref<80x128xf32, #tpu.memory_space<vmem>>
        %dma_start3A_320 = tpu.memref_slice %arg5[%mul3A_314] : memref<10000xi32, #tpu.memory_space<vmem>> -> memref<80xi32, #tpu.memory_space<vmem>>
        %dma_start3A_321 = arith.constant 0 : i32
        %dma_start3A_322 = arith.constant 0 : i32
        %dma_start3A_323 = tpu.memref_slice %arg2[%dma_start3A_321, %dma_start3A_322] : memref<10000x128xf32, #tpu.memory_space<hbm>> -> memref<10000x128xf32, #tpu.memory_space<hbm>>
        tpu.enqueue_indirect_dma source(%dma_start3A_323 : memref<10000x128xf32, #tpu.memory_space<hbm>>) target(%dma_start3A_319 : memref<80x128xf32, #tpu.memory_space<vmem>>) offsets(%dma_start3A_320 : memref<80xi32, #tpu.memory_space<vmem>>) semaphore(%arg11 : memref<!tpu.dma_semaphore, #tpu.memory_space<semaphore_mem>>)
        %dma_start3A_324 = arith.constant 3 : i32
        %dma_start3A_325 = arith.constant 0 : i32
        %dma_start3A_326 = arith.constant 128 : i32
        %dma_start3A_327 = tpu.memref_slice %arg7[%dma_start3A_324, %dma_start3A_325, %dma_start3A_326] : memref<5x80x256xf32, #tpu.memory_space<vmem>> -> memref<1x80x128xf32, #tpu.memory_space<vmem>>
        %dma_start3A_328 = tpu.memref_squeeze %dma_start3A_327 : memref<1x80x128xf32, #tpu.memory_space<vmem>> -> memref<80x128xf32, #tpu.memory_space<vmem>>
        %dma_start3A_329 = tpu.memref_slice %arg6[%mul3A_314] : memref<10000xi32, #tpu.memory_space<vmem>> -> memref<80xi32, #tpu.memory_space<vmem>>
        %dma_start3A_330 = arith.constant 0 : i32
        %dma_start3A_331 = arith.constant 0 : i32
        %dma_start3A_332 = tpu.memref_slice %arg2[%dma_start3A_330, %dma_start3A_331] : memref<10000x128xf32, #tpu.memory_space<hbm>> -> memref<10000x128xf32, #tpu.memory_space<hbm>>
        tpu.enqueue_indirect_dma source(%dma_start3A_332 : memref<10000x128xf32, #tpu.memory_space<hbm>>) target(%dma_start3A_328 : memref<80x128xf32, #tpu.memory_space<vmem>>) offsets(%dma_start3A_329 : memref<80xi32, #tpu.memory_space<vmem>>) semaphore(%arg11 : memref<!tpu.dma_semaphore, #tpu.memory_space<semaphore_mem>>)
      } else {
      }
      %dma_wait3A_288 = arith.constant 4 : i32
      %dma_wait3A_289 = arith.constant 0 : i32
      %dma_wait3A_290 = arith.constant 0 : i32
      %dma_wait3A_291 = tpu.memref_slice %arg7[%dma_wait3A_288, %dma_wait3A_289, %dma_wait3A_290] : memref<5x80x256xf32, #tpu.memory_space<vmem>> -> memref<1x80x256xf32, #tpu.memory_space<vmem>>
      %dma_wait3A_292 = tpu.memref_squeeze %dma_wait3A_291 : memref<1x80x256xf32, #tpu.memory_space<vmem>> -> memref<80x256xf32, #tpu.memory_space<vmem>>
      %dma_wait3A_293 = arith.constant 0 : i32
      %dma_wait3A_294 = arith.constant 0 : i32
      %dma_wait3A_295 = tpu.memref_slice %arg7[%dma_wait3A_288, %dma_wait3A_293, %dma_wait3A_294] : memref<5x80x256xf32, #tpu.memory_space<vmem>> -> memref<1x80x256xf32, #tpu.memory_space<vmem>>
      %dma_wait3A_296 = tpu.memref_squeeze %dma_wait3A_295 : memref<1x80x256xf32, #tpu.memory_space<vmem>> -> memref<80x256xf32, #tpu.memory_space<vmem>>
      tpu.wait_dma2 semaphore(%arg12 : memref<!tpu.dma_semaphore, #tpu.memory_space<semaphore_mem>>) src(%arg2 : memref<10000x128xf32, #tpu.memory_space<hbm>>) dst(%dma_wait3A_296 : memref<80x256xf32, #tpu.memory_space<vmem>>)
      %mul3A_297 = arith.constant 80 : i32
      %mul3A_298 = arith.muli %add3A_273, %mul3A_297 : i32
      %add3A_299 = arith.addi %mul3A_2, %mul3A_298 : i32
      %dma_start3A_300 = arith.constant 4 : i32
      %dma_start3A_301 = arith.constant 0 : i32
      %dma_start3A_302 = arith.constant 0 : i32
      %dma_start3A_303 = tpu.memref_slice %arg7[%dma_start3A_300, %dma_start3A_301, %dma_start3A_302] : memref<5x80x256xf32, #tpu.memory_space<vmem>> -> memref<1x80x256xf32, #tpu.memory_space<vmem>>
      %dma_start3A_304 = tpu.memref_squeeze %dma_start3A_303 : memref<1x80x256xf32, #tpu.memory_space<vmem>> -> memref<80x256xf32, #tpu.memory_space<vmem>>
      %dma_start3A_305 = arith.constant 0 : i32
      %dma_start3A_306 = tpu.memref_slice %arg4[%add3A_299, %dma_start3A_305] : memref<320000x256xf32, #tpu.memory_space<hbm>> -> memref<80x256xf32, #tpu.memory_space<hbm>>
      %dma_start3A_307 = arith.constant 0 : i32
      %dma_start3A_308 = tpu.memref_slice %arg4[%add3A_299, %dma_start3A_307] : memref<320000x256xf32, #tpu.memory_space<hbm>> -> memref<80x256xf32, #tpu.memory_space<hbm>>
      %dma_start3A_309 = arith.constant 0 : i32
      %dma_start3A_310 = arith.constant 0 : i32
      %dma_start3A_311 = tpu.memref_slice %arg7[%dma_start3A_300, %dma_start3A_309, %dma_start3A_310] : memref<5x80x256xf32, #tpu.memory_space<vmem>> -> memref<1x80x256xf32, #tpu.memory_space<vmem>>
      %dma_start3A_312 = tpu.memref_squeeze %dma_start3A_311 : memref<1x80x256xf32, #tpu.memory_space<vmem>> -> memref<80x256xf32, #tpu.memory_space<vmem>>
      tpu.enqueue_dma source(%dma_start3A_312 : memref<80x256xf32, #tpu.memory_space<vmem>>) target(%dma_start3A_308 : memref<80x256xf32, #tpu.memory_space<hbm>>) target_semaphore(%arg17 : memref<!tpu.dma_semaphore, #tpu.memory_space<semaphore_mem>>)
    }
    %scan3A_87 = arith.constant 25 : i32
    %add3A_88 = arith.constant 9920 : i32
    %add3A_89 = arith.addi %mul3A_2, %add3A_88 : i32
    %dma_wait3A = arith.constant 4 : i32
    %dma_wait3A_90 = arith.constant 0 : i32
    %dma_wait3A_91 = arith.constant 0 : i32
    %dma_wait3A_92 = tpu.memref_slice %arg7[%dma_wait3A, %dma_wait3A_90, %dma_wait3A_91] : memref<5x80x256xf32, #tpu.memory_space<vmem>> -> memref<1x80x256xf32, #tpu.memory_space<vmem>>
    %dma_wait3A_93 = tpu.memref_squeeze %dma_wait3A_92 : memref<1x80x256xf32, #tpu.memory_space<vmem>> -> memref<80x256xf32, #tpu.memory_space<vmem>>
    %dma_wait3A_94 = arith.constant 0 : i32
    %dma_wait3A_95 = tpu.memref_slice %arg4[%add3A_89, %dma_wait3A_94] : memref<320000x256xf32, #tpu.memory_space<hbm>> -> memref<80x256xf32, #tpu.memory_space<hbm>>
    %dma_wait3A_96 = arith.constant 0 : i32
    %dma_wait3A_97 = tpu.memref_slice %arg4[%add3A_89, %dma_wait3A_96] : memref<320000x256xf32, #tpu.memory_space<hbm>> -> memref<80x256xf32, #tpu.memory_space<hbm>>
    %dma_wait3A_98 = arith.constant 0 : i32
    %dma_wait3A_99 = arith.constant 0 : i32
    %dma_wait3A_100 = tpu.memref_slice %arg7[%dma_wait3A, %dma_wait3A_98, %dma_wait3A_99] : memref<5x80x256xf32, #tpu.memory_space<vmem>> -> memref<1x80x256xf32, #tpu.memory_space<vmem>>
    %dma_wait3A_101 = tpu.memref_squeeze %dma_wait3A_100 : memref<1x80x256xf32, #tpu.memory_space<vmem>> -> memref<80x256xf32, #tpu.memory_space<vmem>>
    tpu.wait_dma2 semaphore(%arg17 : memref<!tpu.dma_semaphore, #tpu.memory_space<semaphore_mem>>) src(%dma_wait3A_101 : memref<80x256xf32, #tpu.memory_space<vmem>>) dst(%dma_wait3A_97 : memref<80x256xf32, #tpu.memory_space<hbm>>)
    return
  }
}

</mosaic_0001>

<sc_bundles>
// kernel: kernel.3.cloned.1.call-start
scs
__scs_entry_jumppad:
0x0: {  	(pc) =	sbr.rel $0x88, $3  }
0x1: {  	(tag) =	ssettag $0x0;
	lr =	simm.s32 $0x1  }
0x2: {  	[smem:$0x3F9F] =	sst lr;
	_ =	strace $0xD0000000  }
0x3: {  	_ = 	snop  }
0x4: {  	_ = 	snop  }
0x5: {  	_ = 	snop  }
0x6: {  	_ = 	snop  }
0x7: {  	_ = 	snop  }
__scs_overlays_trampoline_lowered:
0x8: {  	[smem:$0x3FAE] =	sst s0  }
0x9: {  	[smem:$0x3FAF] =	sst s1  }
0xa: {  	[smem:$0x3FB0] =	sst s2  }
0xb: {  	[smem:$0x3FB1] =	sst s3  }
0xc: {  	[smem:$0x3FB2] =	sst s4  }
0xd: {  	[smem:$0x3FB3] =	sst s5  }
0xe: {  	[smem:$0x3FB4] =	sst s6  }
0xf: {  	[smem:$0x3FB5] =	sst s7  }
0x10: {  	[smem:$0x3FB6] =	sst s8  }
0x11: {  	[smem:$0x3FB7] =	sst s9;
	s0 =	simm.s32 @!p0 $0x0  }
0x12: {  	s1 =	sld [smem:$0x3F9D];
	s0 =	simm.s32 @p0 $0x1  }
0x13: {  	[smem:$0x3FB8] =	sst s0;
	s0 =	simm.s32 @!p1 $0x0  }
0x14: {  	s2 =	sld [smem:$0x3F9C];
	s0 =	simm.s32 @p1 $0x1  }
0x15: {  	[smem:$0x3FB9] =	sst s0;
	s0 =	simm.s32 @!p2 $0x0  }
0x16: {  	s3 =	sld [smem:$0x3FDB];
	s0 =	simm.s32 @p2 $0x1  }
0x17: {  	s4 =	simm.s32 $0x1BF5;
	[smem:$0x3FBB] =	sst s0  }
0x18: {  	s0 =	sld [smem:$0x3F9E];
	_ =	swait.ge [sflag:s4], $0x0  }
0x19: {  	s7 =	sld [smem:$0x3F9F]  }
0x1a: {  	s8 =	sadd.s32 $0xFFFFE003, lr  }
0x1b: {  	s9 =	sadd.s32 $0xFFFFFEF7, lr;
	s5 =	simm.s32 $0xFFFFFFFF;
	p2 =	slt.u32 s8, $0xFFFFF086  }
0x1c: {  	p1 =	slt.u32 s9, $0xF7A;
	s5 =	simm.s32 @!p2 $0x0  }
0x1d: {  	s5 =	simm.s32 @p1 $0x1;
	p0 =	seq.s32 s7, s2  }
0x1e: {  	s7 =	smul.u32 @!p0 $0xF7A, s2;
	p2 =	seq.s32 @!p0 s5, $0x0  }
0x1f: {  	s9 =	smul.u32 $0xF7A, s1;
	s8 =	simm.s32 @!p0 $0x1BF5;
	p2 =	por !p2, p0  }
0x20: {  	[sflag:s8] =	ssyncset.s32 @!p0 $0xFFFFF086;
	s6 =	sadd.s32 @!p0 s3, s7;
	s7 =	simm.s32 @!p0 $0x108  }
0x21: {  	s3 =	sadd.s32 s3, s9;
	s6 =	sadd.s32 @!p0 $0x88, s6;
	s7 =	simm.s32 @p2 $0x1082  }
0x22: {  	[simem:s7], [sflag:s8] =	dma.local @!p0 [hbm:s6], $0xF7A  }
0x23: {  	s9 =	sor.u32 $0xD0000000, s2;
	s6 =	simm.s32 $0x108;
	_ =	swait.ge @!p0 [sflag:s8], $0x0  }
0x24: {  	s3 =	sadd.s32 $0x88, s3;
	s6 =	simm.s32 @!p1 $0x1082;
	[sflag:s4] =	ssyncset.s32 $0xFFFFF086  }
0x25: {  	[simem:s6], [sflag:s4] =	dma.local [hbm:s3], $0xF7A  }
0x26: {  	[smem:$0x3F9F] =	sst s1;
	(tag) =	ssettag s2;
	_ =	strace s9  }
0x27: {  	s1 =	sld [smem:$0x3FAF]  }
0x28: {  	s2 =	sld [smem:$0x3FB0]  }
0x29: {  	s4 =	sld [smem:$0x3FB2]  }
0x2a: {  	p0 =	seq.s32 s5, $0x0;
	s5 =	sld [smem:$0x3FB3]  }
0x2b: {  	s6 =	sld [smem:$0x3FB4]  }
0x2c: {  	s7 =	sld [smem:$0x3FB5]  }
0x2d: {  	s3 =	simm.s32 $0x108;
	s8 =	sld [smem:$0x3FB6]  }
0x2e: {  	s3 =	simm.s32 @!p0 $0x1082;
	s9 =	sld [smem:$0x3FB7]  }
0x2f: {  	lr =	sadd.s32 s0, s3;
	s0 =	sld [smem:$0x3FAE]  }
0x30: {  	s3 =	sld [smem:$0x3FB1]  }
0x31: {  	[smem:$0x3FBA] =	sst s10  }
0x32: {  	s10 =	sld [smem:$0x3FB8];
	_ =	sdelay $0x3  }
0x33: {  	p0 =	seq.s32 s10, $0x1;
	s10 =	sld [smem:$0x3FBA];
	_ =	sdelay $0x3  }
0x34: {  	[smem:$0x3FBA] =	sst s10  }
0x35: {  	s10 =	sld [smem:$0x3FB9];
	_ =	sdelay $0x3  }
0x36: {  	p1 =	seq.s32 s10, $0x1;
	s10 =	sld [smem:$0x3FBA];
	_ =	sdelay $0x3  }
0x37: {  	[smem:$0x3FBA] =	sst s10  }
0x38: {  	s10 =	sld [smem:$0x3FBB]  }
0x39: {  	_ = 	snop;
	(pc) =	sbr.ind lr, $3  }
0x3a: {  	_ = 	snop  }
0x3b: {  	_ = 	snop  }
0x3c: {  	p2 =	seq.s32 s10, $0x1;
	s10 =	sld [smem:$0x3FBA]  }
0x3d: {  	_ =	shalt  }
0x3e: {  	_ =	shalt  }
0x3f: {  	_ =	shalt  }
0x40: {  	_ =	shalt  }
0x41: {  	_ =	shalt  }
0x42: {  	_ =	shalt  }
0x43: {  	_ =	shalt  }
0x44: {  	_ =	shalt  }
0x45: {  	_ =	shalt  }
0x46: {  	_ =	shalt  }
0x47: {  	_ =	shalt  }
0x48: {  	_ =	shalt  }
0x49: {  	_ =	shalt  }
0x4a: {  	_ =	shalt  }
0x4b: {  	_ =	shalt  }
0x4c: {  	_ =	shalt  }
0x4d: {  	_ =	shalt  }
0x4e: {  	_ =	shalt  }
0x4f: {  	_ =	shalt  }
0x50: {  	_ =	shalt  }
0x51: {  	_ =	shalt  }
0x52: {  	_ =	shalt  }
0x53: {  	_ =	shalt  }
0x54: {  	_ =	shalt  }
0x55: {  	_ =	shalt  }
0x56: {  	_ =	shalt  }
0x57: {  	_ =	shalt  }
0x58: {  	_ =	shalt  }
0x59: {  	_ =	shalt  }
0x5a: {  	_ =	shalt  }
0x5b: {  	_ =	shalt  }
0x5c: {  	_ =	shalt  }
0x5d: {  	_ =	shalt  }
0x5e: {  	_ =	shalt  }
0x5f: {  	_ =	shalt  }
0x60: {  	_ =	shalt  }
0x61: {  	_ =	shalt  }
0x62: {  	_ =	shalt  }
0x63: {  	_ =	shalt  }
0x64: {  	_ =	shalt  }
0x65: {  	_ =	shalt  }
0x66: {  	_ =	shalt  }
0x67: {  	_ =	shalt  }
0x68: {  	_ =	shalt  }
0x69: {  	_ =	shalt  }
0x6a: {  	_ =	shalt  }
0x6b: {  	_ =	shalt  }
0x6c: {  	_ =	shalt  }
0x6d: {  	_ =	shalt  }
0x6e: {  	_ =	shalt  }
0x6f: {  	_ =	shalt  }
0x70: {  	_ =	shalt  }
0x71: {  	_ =	shalt  }
0x72: {  	_ =	shalt  }
0x73: {  	_ =	shalt  }
0x74: {  	_ =	shalt  }
0x75: {  	_ =	shalt  }
0x76: {  	_ =	shalt  }
0x77: {  	_ =	shalt  }
0x78: {  	_ =	shalt  }
0x79: {  	_ =	shalt  }
0x7a: {  	_ =	shalt  }
0x7b: {  	_ =	shalt  }
0x7c: {  	_ =	shalt  }
0x7d: {  	_ =	shalt  }
0x7e: {  	_ =	shalt  }
0x7f: {  	_ =	shalt  }
0x80: {  	_ =	shalt  }
0x81: {  	_ =	shalt  }
0x82: {  	_ =	shalt  }
0x83: {  	_ =	shalt  }
0x84: {  	_ =	shalt  }
0x85: {  	_ =	shalt  }
0x86: {  	_ =	shalt  }
0x87: {  	_ =	shalt  }
.Lfunc_end0:
.L_simem_size_0:
called_computation_lowered:
.L_overlay_start_0:
0x88: {  	s2 =	sld [smem:$0x3FD9]  }
0x89: {  	s3 =	sld [smem:$0x3FFE];
	_ =	sdelay $0x1  }
0x8a: {  	s1 =	srdreg.scid  }
0x8b: {  	s0 =	sand.u32 $0x1, s1  }
0x8c: {  	s17 =	sshll.u32 s0, $0xA;
	s2 =	sadd.s32 s3, s2  }
0x8d: {  	s2 =	sadd.s32 s2, s17  }
0x8e: {  	[smem:$0x3FC6] =	sst s2  }
0x8f: {  	_ = 	snop  }
0x90: {  	s2 =	sld [smem:$0x3FC9]  }
0x91: {  	s18 =	sld [smem:$0x3FD0];
	(tm) =	ssettm $0x1  }
0x92: {  	s4 =	sld [smem:$0x3FFB];
	_ =	sdelay $0x3  }
0x93: {  	_ =	strace s4  }
0x94: {  	s4 =	sld [smem:$0x3FFC];
	_ =	sdelay $0x3  }
0x95: {  	_ =	strace s4  }
0x96: {  	s4 =	sld [smem:$0x3FFD];
	_ =	sdelay $0x3  }
0x97: {  	_ =	strace s4  }
0x98: {  	_ =	strace $0x8FFFFFFF  }
0x99: {  	s19 =	sld [smem:$0x3FDB];
	_ =	sdelay $0x1  }
0x9a: {  	s5 =	simm.s32 $_scs_section_size  }
0x9b: {  	s6 =	simm.s32 $_size__tile_overlayer_lowered;
	s7 =	simm.s32 $_tile_overlayer_lowered  }
0x9c: {  	s22 =	simm.s32 $0x1BFF;
	s21 =	sshll.u32 s7, $0x1;
	s4 =	sadd.s32 s5, s19  }
0x9d: {  	s8 =	simm.s32 $0x0;
	s20 =	sshll.u32 s6, $0x1;
	s6 =	sadd.s32 s21, s4  }
0x9e: {  	[timem:s8], [sflag:s22] =	dma.local [hbm:s6], s20  }
0x9f: {  	_ =	swait.ge [sflag:s22], s20  }
0xa0: {  	s5 =	ssub.s32 $0x0, s20;
	[sflag:s22] =	ssyncset.done $0x0  }
0xa1: {  	[sflag:s22] =	ssyncadd.s32 s5;
	_ =	sdelay $0x1  }
0xa2: {  	s23 =	simm.s32 $0x1B8B  }
0xa3: {  	_ =	swait.ge [sflag:s23], $0x1  }
0xa4: {  	[sflag:s23] =	ssyncset.done $0x0  }
0xa5: {  	s25 =	simm.s32 $0x1B8E;
	s24 =	sld [smem:$0x3FFE];
	[sflag:s23] =	ssyncadd.s32 $0xFFFFFFFF  }
0xa6: {  	s26 =	simm.s32 $execute0_lowered;
	[smem:$0x3FD2] =	sst s25  }
0xa7: {  	s6 =	sshll.u32 s26, $0x1;
	_ =	strace $0x80000046;
	[dreg:$0x1] =	wrdreg $0xFFFFFFFF  }
0xa8: {  	s28 =	simm.s32 $_size_execute0_lowered;
	s4 =	sadd.s32 s4, s6;
	[dreg:$0x0] =	wrdreg $0x0  }
0xa9: {  	s6 =	sshll.u32 s28, $0x1;
	[dreg:$0x2] =	wrdreg s4  }
0xaa: {  	[dreg:$0x3] =	wrdreg s6  }
0xab: {  	[dreg:$0x4] =	wrdreg $0xC0  }
0xac: {  	_ =	task [dreg:s8], $0x5FFFF  }
0xad: {  	[dreg:$0x1] =	wrdreg $0xFFFFFFFF  }
0xae: {  	[dreg:$0x0] =	wrdreg $0x60  }
0xaf: {  	[dreg:$0x2] =	wrdreg s2  }
0xb0: {  	[dreg:$0x3] =	wrdreg s24  }
0xb1: {  	[dreg:$0x4] =	wrdreg s18  }
0xb2: {  	[dreg:$0x5] =	wrdreg $0x9  }
0xb3: {  	_ =	task.clear_ibuf [dreg:s8], $0x6FFFF;
	_ =	strace $0x90000046  }
0xb4: {  	s29 =	simm.s32 $0x9;
	_ =	strace $0x80000048  }
0xb5: {  	_ =	swait.ge [sflag:s29], $0x1  }
0xb6: {  	[sflag:s29] =	ssyncadd.s32 $0xFFFFFFFF  }
0xb7: {  	_ =	strace $0x90000048  }
0xb8: {  	_ =	sfence  }
0xb9: {  	s30 =	sld [smem:$0x0];
	_ =	sdelay $0x2  }
0xba: {  	s31 =	sshll.u32 s1, $0xD;
	s1 =	sshrl.u32 s1, $0x2  }
0xbb: {  	s3 =	sand.u32 $0x4000, s31;
	s1 =	sadd.s32 s1, s30  }
0xbc: {  	s0 =	sor.u32 s3, s0;
	s1 =	sshll.u32 s1, $0x11  }
0xbd: {  	s0 =	sor.u32 s1, s0  }
0xbe: {  	s0 =	sadd.s32 $0x8F2B, s0  }
0xbf: {  	[sflag:s0] =	ssyncadd.remote.s32 $0x1  }
0xc0: {  	_ =	sfence.sel $0xFFFF  }
0xc1: {  	[dreg:$0x0] =	wrdreg $0xFFFFFFFF;
	(pc) =	sbr.abs _section_cstart, $3  }
0xc2: {  	[dreg:$0x1] =	wrdreg $0xFFFFFFFF  }
0xc3: {  	_ =	task.clear_ibuf [dreg:s8], $0x2FFFF;
	_ =	strace $0x9FFFFFFF  }
0xc4: {  	(tm) =	ssettm $0x7FFFFFFF  }
0xc5: {  	_ =	shalt  }
tec
execute0_lowered:
.L_overlay_start_1:
0x0: {  	(tag) =	ssettag $0x1  }
0x1: {  	s1 =	rddreg [dreg:$0x0];
	s0 =	srdreg.scid  }
0x2: {  	s7 =	stileid.u32;
	s2 =	rddreg [dreg:$0x1]  }
0x3: {  	s4 =	rddreg [dreg:$0x2];
	s10 =	simm.s32 $0x4F00;
	s31 =	simm.s32 $0x9F00  }
0x4: {  	s17 =	simm.s32 $0x13F00;
	s12 =	simm.s32 $0x18F00;
	s28 =	simm.s32 $0x1AB00  }
0x5: {  	s29 =	simm.s32 $0x1B300;
	s30 =	simm.s32 $0x1BB00;
	s9 =	simm.s32 $0x1D300  }
0x6: {  	s8 =	simm.s32 $0x2;
	s11 =	simm.s32 $0x7;
	s13 =	simm.s32 $0x3  }
0x7: {  	s14 =	simm.s32 $0x8;
	s15 =	simm.s32 $0x4;
	s16 =	simm.s32 $0x9  }
0x8: {  	s18 =	simm.s32 $0x5;
	s0 =	sand.u32 $0x1, s0;
	s3 =	sshll.u32 s7, $0x1  }
0x9: {  	s21 =	simm.s32 $0x0;
	s7 =	smul.u32 $0x9C400, s7;
	s5 =	sor.u32 s0, s3  }
0xa: {  	s3 =	simm.s32 $0x0;
	s6 =	ssub.s32 $0x2, s0;
	s0 =	smul.u32 $0x4E200, s0  }
0xb: {  	s5 =	smul.u32 $0x2710, s5;
	[smem:$0x7FF] =	sst s3;
	s23 =	sshrl.u32 s6, $0x1  }
0xc: {  	s26 =	sadd.s32 s7, s4;
	s4 =	simm.s32 $0x1DB00;
	_ =	strace $0x80000047  }
0xd: {  	s7 =	sadd.s32 s0, s26;
	s26 =	simm.s32 $0x1A300;
	s5 =	sshrl.u32 s5, $0x3  }
.Ltmp0:
0xe: {  	s0 =	simm.s32 $0x1CB00;
	s2 =	sadd.s32 s5, s2;
	(pc) =	sbr.rel .LBB2_1-.Ltmp0, $4  }
0xf: {  	s5 =	ssub.s32 s6, s23;
	s23 =	simm.s32 $0xEF00;
	s24 =	sadd.s32 $0x400, s2  }
0x10: {  	v2 =	vlaneseq.u32;
	s6 =	simm.s32 $0x6;
	s2 =	sadd.s32 $0xA040, s2;
	[dreg:$0x4] =	wrdreg s24  }
0x11: {  	vm0 =	vmmov $0xff;
	v1 =	vshrl.u32 v2, $0x3;
	s25 =	smax.u32 s5, $0x1;
	s5 =	simm.s32 $0x1;
	[dreg:$0x5] =	wrdreg s2  }
0x12: {  	v0 =	vand.u32 $0x7, v2;
	v2 =	vor.u32 $0x8, v2;
	v1 =	vmul.u32 $0x8, v1;
	[dreg:$0x6] =	wrdreg s25;
	s25 =	simm.s32 $0x19B00;
	s2 =	simm.s32 $0x1C300  }
.LBB2_11:
0x13: {  	s20 =	simm.s32 $0xA  }
0x14: {  	_ =	swait.ge [sflag:s20], $0x5000  }
0x15: {  	s21 =	rddreg [dreg:$0x7]  }
0x16: {  	s19 =	rddreg [dreg:$0x6];
	s21 =	sadd.s32 $0x1, s21  }
0x17: {  	p0 =	sne.s32 s21, s19  }
.Ltmp1:
0x18: {  	_ = 	snop;
	(pc) =	sbr.rel @!p0 .LBB2_12-.Ltmp1, $3  }
0x19: {  	_ =	sdelay $0x1  }
0x1a: {  	[sflag:s20] =	ssyncset.done $0x0  }
0x1b: {  	[sflag:s20] =	ssyncadd.s32 $0xFFFFB000  }
.LBB2_1:
0x1c: {  	[dreg:$0x7] =	wrdreg s21  }
0x1d: {  	s19 =	rddreg [dreg:$0x4];
	s20 =	simm.s32 $0xB  }
0x1e: {  	[tilespmem:s3], [sflag:$0xB] =	stream.linear.gather [hbm4b:s19+s3], $0x2710, $0x38;
	[tilespmem:$0x1DF00] =	vst v63  }
0x1f: {  	_ =	swait.ge [sflag:s20], $0x2710  }
0x20: {  	[sflag:s20] =	ssyncset.done $0x0  }
0x21: {  	s24 =	simm.s32 $0x2780;
	s22 =	rddreg [dreg:$0x5];
	[sflag:s20] =	ssyncadd.s32 $0xFFFFD8F0  }
0x22: {  	[tilespmem:s24], [sflag:$0xB] =	stream.linear.gather [hbm4b:s22+s3], $0x2710, $0x38;
	[tilespmem:$0x1DF00] =	vst v63  }
0x23: {  	_ =	swait.ge [sflag:s20], $0x2710  }
0x24: {  	[sflag:s20] =	ssyncset.done $0x0  }
0x25: {  	[sflag:s20] =	ssyncadd.s32 $0xFFFFD8F0  }
0x26: {  	v3 =	vld [tilespmem:$0x0];
	_ =	sdelay $0x4  }
0x27: {  	v4 =	vperm.xlane v3, v0;
	_ =	sdelay $0x1  }
0x28: {  	v3 =	vperm.xlane v3, v2;
	v4 =	vadd.s32 v1, v4;
	_ =	sdelay $0x1  }
0x29: {  	v3 =	vadd.s32 v1, v3;
	_ =	sdelay $0x2  }
0x2a: {  	[tilespmem:s10], [sflag:$0x1] =	stream.indirect_vreg.gather [hbm4b:s1+s3], $0x80, v4, vm0, $0xb8;
	[tilespmem:$0x1DF00] =	vst v63  }
0x2b: {  	s20 =	simm.s32 $0x5700  }
0x2c: {  	[tilespmem:s20], [sflag:$0x1] =	stream.indirect_vreg.gather [hbm4b:s1+s3], $0x80, v3, vm0, $0xb8;
	[tilespmem:$0x1DF00] =	vst v63  }
0x2d: {  	v3 =	vld [tilespmem:$0x10];
	_ =	sdelay $0x4  }
0x2e: {  	v25 =	vperm.xlane v3, v0;
	_ =	sdelay $0x1  }
0x2f: {  	v3 =	vperm.xlane v3, v2;
	v4 =	vadd.s32 v1, v25;
	_ =	sdelay $0x1  }
0x30: {  	v3 =	vadd.s32 v1, v3;
	_ =	sdelay $0x1  }
0x31: {  	s21 =	simm.s32 $0x5F00  }
0x32: {  	[tilespmem:s21], [sflag:$0x1] =	stream.indirect_vreg.gather [hbm4b:s1+s3], $0x80, v4, vm0, $0xb8;
	[tilespmem:$0x1DF00] =	vst v63  }
0x33: {  	s22 =	simm.s32 $0x6700  }
0x34: {  	[tilespmem:s22], [sflag:$0x1] =	stream.indirect_vreg.gather [hbm4b:s1+s3], $0x80, v3, vm0, $0xb8;
	[tilespmem:$0x1DF00] =	vst v63  }
0x35: {  	v3 =	vld [tilespmem:$0x20];
	_ =	sdelay $0x4  }
0x36: {  	v26 =	vperm.xlane v3, v0;
	_ =	sdelay $0x1  }
0x37: {  	v3 =	vperm.xlane v3, v2;
	v4 =	vadd.s32 v1, v26;
	_ =	sdelay $0x1  }
0x38: {  	v3 =	vadd.s32 v1, v3;
	_ =	sdelay $0x1  }
0x39: {  	s24 =	simm.s32 $0x6F00  }
0x3a: {  	[tilespmem:s24], [sflag:$0x1] =	stream.indirect_vreg.gather [hbm4b:s1+s3], $0x80, v4, vm0, $0xb8;
	[tilespmem:$0x1DF00] =	vst v63  }
0x3b: {  	s20 =	simm.s32 $0x7700  }
0x3c: {  	[tilespmem:s20], [sflag:$0x1] =	stream.indirect_vreg.gather [hbm4b:s1+s3], $0x80, v3, vm0, $0xb8;
	[tilespmem:$0x1DF00] =	vst v63  }
0x3d: {  	v3 =	vld [tilespmem:$0x30];
	_ =	sdelay $0x4  }
0x3e: {  	v27 =	vperm.xlane v3, v0;
	_ =	sdelay $0x1  }
0x3f: {  	v3 =	vperm.xlane v3, v2;
	v4 =	vadd.s32 v1, v27;
	_ =	sdelay $0x1  }
0x40: {  	v3 =	vadd.s32 v1, v3;
	_ =	sdelay $0x1  }
0x41: {  	s21 =	simm.s32 $0x7F00  }
0x42: {  	[tilespmem:s21], [sflag:$0x1] =	stream.indirect_vreg.gather [hbm4b:s1+s3], $0x80, v4, vm0, $0xb8;
	[tilespmem:$0x1DF00] =	vst v63  }
0x43: {  	s22 =	simm.s32 $0x8700  }
0x44: {  	[tilespmem:s22], [sflag:$0x1] =	stream.indirect_vreg.gather [hbm4b:s1+s3], $0x80, v3, vm0, $0xb8;
	[tilespmem:$0x1DF00] =	vst v63  }
0x45: {  	v3 =	vld [tilespmem:$0x40];
	_ =	sdelay $0x4  }
0x46: {  	v28 =	vperm.xlane v3, v0;
	_ =	sdelay $0x1  }
0x47: {  	v3 =	vperm.xlane v3, v2;
	v4 =	vadd.s32 v1, v28;
	_ =	sdelay $0x1  }
0x48: {  	v3 =	vadd.s32 v1, v3;
	_ =	sdelay $0x1  }
0x49: {  	s24 =	simm.s32 $0x8F00  }
0x4a: {  	[tilespmem:s24], [sflag:$0x1] =	stream.indirect_vreg.gather [hbm4b:s1+s3], $0x80, v4, vm0, $0xb8;
	[tilespmem:$0x1DF00] =	vst v63  }
0x4b: {  	s20 =	simm.s32 $0x9700  }
0x4c: {  	[tilespmem:s20], [sflag:$0x1] =	stream.indirect_vreg.gather [hbm4b:s1+s3], $0x80, v3, vm0, $0xb8;
	[tilespmem:$0x1DF00] =	vst v63  }
0x4d: {  	v3 =	vld [tilespmem:$0x2780];
	_ =	sdelay $0x4  }
0x4e: {  	v29 =	vperm.xlane v3, v0;
	_ =	sdelay $0x1  }
0x4f: {  	v3 =	vperm.xlane v3, v2;
	v4 =	vadd.s32 v1, v29;
	_ =	sdelay $0x1  }
0x50: {  	v3 =	vadd.s32 v1, v3;
	_ =	sdelay $0x1  }
0x51: {  	s21 =	simm.s32 $0x5300  }
0x52: {  	[tilespmem:s21], [sflag:$0x1] =	stream.indirect_vreg.gather [hbm4b:s1+s3], $0x80, v4, vm0, $0xb8;
	[tilespmem:$0x1DF00] =	vst v63  }
0x53: {  	s22 =	simm.s32 $0x5B00  }
0x54: {  	[tilespmem:s22], [sflag:$0x1] =	stream.indirect_vreg.gather [hbm4b:s1+s3], $0x80, v3, vm0, $0xb8;
	[tilespmem:$0x1DF00] =	vst v63  }
0x55: {  	v3 =	vld [tilespmem:$0x2790];
	_ =	sdelay $0x4  }
0x56: {  	v30 =	vperm.xlane v3, v0;
	_ =	sdelay $0x1  }
0x57: {  	v3 =	vperm.xlane v3, v2;
	v4 =	vadd.s32 v1, v30;
	_ =	sdelay $0x1  }
0x58: {  	v3 =	vadd.s32 v1, v3;
	_ =	sdelay $0x1  }
0x59: {  	s24 =	simm.s32 $0x6300  }
0x5a: {  	[tilespmem:s24], [sflag:$0x1] =	stream.indirect_vreg.gather [hbm4b:s1+s3], $0x80, v4, vm0, $0xb8;
	[tilespmem:$0x1DF00] =	vst v63  }
0x5b: {  	s20 =	simm.s32 $0x6B00  }
0x5c: {  	[tilespmem:s20], [sflag:$0x1] =	stream.indirect_vreg.gather [hbm4b:s1+s3], $0x80, v3, vm0, $0xb8;
	[tilespmem:$0x1DF00] =	vst v63  }
0x5d: {  	v3 =	vld [tilespmem:$0x27A0];
	_ =	sdelay $0x4  }
0x5e: {  	v31 =	vperm.xlane v3, v0;
	_ =	sdelay $0x1  }
0x5f: {  	v3 =	vperm.xlane v3, v2;
	v4 =	vadd.s32 v1, v31;
	_ =	sdelay $0x1  }
0x60: {  	v3 =	vadd.s32 v1, v3;
	_ =	sdelay $0x1  }
0x61: {  	s21 =	simm.s32 $0x7300  }
0x62: {  	[tilespmem:s21], [sflag:$0x1] =	stream.indirect_vreg.gather [hbm4b:s1+s3], $0x80, v4, vm0, $0xb8;
	[tilespmem:$0x1DF00] =	vst v63  }
0x63: {  	s22 =	simm.s32 $0x7B00  }
0x64: {  	[tilespmem:s22], [sflag:$0x1] =	stream.indirect_vreg.gather [hbm4b:s1+s3], $0x80, v3, vm0, $0xb8;
	[tilespmem:$0x1DF00] =	vst v63  }
0x65: {  	v3 =	vld [tilespmem:$0x27B0];
	_ =	sdelay $0x4  }
0x66: {  	v32 =	vperm.xlane v3, v0;
	_ =	sdelay $0x1  }
0x67: {  	v3 =	vperm.xlane v3, v2;
	v4 =	vadd.s32 v1, v32;
	_ =	sdelay $0x1  }
0x68: {  	v3 =	vadd.s32 v1, v3;
	_ =	sdelay $0x1  }
0x69: {  	s24 =	simm.s32 $0x8300  }
0x6a: {  	[tilespmem:s24], [sflag:$0x1] =	stream.indirect_vreg.gather [hbm4b:s1+s3], $0x80, v4, vm0, $0xb8;
	[tilespmem:$0x1DF00] =	vst v63  }
0x6b: {  	s20 =	simm.s32 $0x8B00  }
0x6c: {  	[tilespmem:s20], [sflag:$0x1] =	stream.indirect_vreg.gather [hbm4b:s1+s3], $0x80, v3, vm0, $0xb8;
	[tilespmem:$0x1DF00] =	vst v63  }
0x6d: {  	v3 =	vld [tilespmem:$0x27C0];
	_ =	sdelay $0x4  }
0x6e: {  	v33 =	vperm.xlane v3, v0;
	_ =	sdelay $0x1  }
0x6f: {  	v3 =	vperm.xlane v3, v2;
	v4 =	vadd.s32 v1, v33;
	_ =	sdelay $0x1  }
0x70: {  	v3 =	vadd.s32 v1, v3;
	_ =	sdelay $0x1  }
0x71: {  	s21 =	simm.s32 $0x9300  }
0x72: {  	[tilespmem:s21], [sflag:$0x1] =	stream.indirect_vreg.gather [hbm4b:s1+s3], $0x80, v4, vm0, $0xb8;
	[tilespmem:$0x1DF00] =	vst v63  }
0x73: {  	s22 =	simm.s32 $0x9B00  }
0x74: {  	[tilespmem:s22], [sflag:$0x1] =	stream.indirect_vreg.gather [hbm4b:s1+s3], $0x80, v3, vm0, $0xb8;
	[tilespmem:$0x1DF00] =	vst v63  }
0x75: {  	v3 =	vld [tilespmem:$0x50];
	_ =	sdelay $0x4  }
0x76: {  	v34 =	vperm.xlane v3, v0;
	_ =	sdelay $0x1  }
0x77: {  	v3 =	vperm.xlane v3, v2;
	v4 =	vadd.s32 v1, v34;
	_ =	sdelay $0x1  }
0x78: {  	v3 =	vadd.s32 v1, v3;
	_ =	sdelay $0x2  }
0x79: {  	[tilespmem:s31], [sflag:$0x2] =	stream.indirect_vreg.gather [hbm4b:s1+s3], $0x80, v4, vm0, $0xb8;
	[tilespmem:$0x1DF00] =	vst v63  }
0x7a: {  	s24 =	simm.s32 $0xA700  }
0x7b: {  	[tilespmem:s24], [sflag:$0x2] =	stream.indirect_vreg.gather [hbm4b:s1+s3], $0x80, v3, vm0, $0xb8;
	[tilespmem:$0x1DF00] =	vst v63  }
0x7c: {  	v3 =	vld [tilespmem:$0x60];
	_ =	sdelay $0x4  }
0x7d: {  	v35 =	vperm.xlane v3, v0;
	_ =	sdelay $0x1  }
0x7e: {  	v3 =	vperm.xlane v3, v2;
	v4 =	vadd.s32 v1, v35;
	_ =	sdelay $0x1  }
0x7f: {  	v3 =	vadd.s32 v1, v3;
	_ =	sdelay $0x1  }
0x80: {  	s20 =	simm.s32 $0xAF00  }
0x81: {  	[tilespmem:s20], [sflag:$0x2] =	stream.indirect_vreg.gather [hbm4b:s1+s3], $0x80, v4, vm0, $0xb8;
	[tilespmem:$0x1DF00] =	vst v63  }
0x82: {  	s21 =	simm.s32 $0xB700  }
0x83: {  	[tilespmem:s21], [sflag:$0x2] =	stream.indirect_vreg.gather [hbm4b:s1+s3], $0x80, v3, vm0, $0xb8;
	[tilespmem:$0x1DF00] =	vst v63  }
0x84: {  	v3 =	vld [tilespmem:$0x70];
	_ =	sdelay $0x4  }
0x85: {  	v36 =	vperm.xlane v3, v0;
	_ =	sdelay $0x1  }
0x86: {  	v3 =	vperm.xlane v3, v2;
	v4 =	vadd.s32 v1, v36;
	_ =	sdelay $0x1  }
0x87: {  	v3 =	vadd.s32 v1, v3;
	_ =	sdelay $0x1  }
0x88: {  	s22 =	simm.s32 $0xBF00  }
0x89: {  	[tilespmem:s22], [sflag:$0x2] =	stream.indirect_vreg.gather [hbm4b:s1+s3], $0x80, v4, vm0, $0xb8;
	[tilespmem:$0x1DF00] =	vst v63  }
0x8a: {  	s24 =	simm.s32 $0xC700  }
0x8b: {  	[tilespmem:s24], [sflag:$0x2] =	stream.indirect_vreg.gather [hbm4b:s1+s3], $0x80, v3, vm0, $0xb8;
	[tilespmem:$0x1DF00] =	vst v63  }
0x8c: {  	v3 =	vld [tilespmem:$0x80];
	_ =	sdelay $0x4  }
0x8d: {  	v37 =	vperm.xlane v3, v0;
	_ =	sdelay $0x1  }
0x8e: {  	v3 =	vperm.xlane v3, v2;
	v4 =	vadd.s32 v1, v37;
	_ =	sdelay $0x1  }
0x8f: {  	v3 =	vadd.s32 v1, v3;
	_ =	sdelay $0x1  }
0x90: {  	s20 =	simm.s32 $0xCF00  }
0x91: {  	[tilespmem:s20], [sflag:$0x2] =	stream.indirect_vreg.gather [hbm4b:s1+s3], $0x80, v4, vm0, $0xb8;
	[tilespmem:$0x1DF00] =	vst v63  }
0x92: {  	s21 =	simm.s32 $0xD700  }
0x93: {  	[tilespmem:s21], [sflag:$0x2] =	stream.indirect_vreg.gather [hbm4b:s1+s3], $0x80, v3, vm0, $0xb8;
	[tilespmem:$0x1DF00] =	vst v63  }
0x94: {  	v3 =	vld [tilespmem:$0x90];
	_ =	sdelay $0x4  }
0x95: {  	v38 =	vperm.xlane v3, v0;
	_ =	sdelay $0x1  }
0x96: {  	v3 =	vperm.xlane v3, v2;
	v4 =	vadd.s32 v1, v38;
	_ =	sdelay $0x1  }
0x97: {  	v3 =	vadd.s32 v1, v3;
	_ =	sdelay $0x1  }
0x98: {  	s22 =	simm.s32 $0xDF00  }
0x99: {  	[tilespmem:s22], [sflag:$0x2] =	stream.indirect_vreg.gather [hbm4b:s1+s3], $0x80, v4, vm0, $0xb8;
	[tilespmem:$0x1DF00] =	vst v63  }
0x9a: {  	s24 =	simm.s32 $0xE700  }
0x9b: {  	[tilespmem:s24], [sflag:$0x2] =	stream.indirect_vreg.gather [hbm4b:s1+s3], $0x80, v3, vm0, $0xb8;
	[tilespmem:$0x1DF00] =	vst v63  }
0x9c: {  	v3 =	vld [tilespmem:$0x27D0];
	_ =	sdelay $0x4  }
0x9d: {  	v39 =	vperm.xlane v3, v0;
	_ =	sdelay $0x1  }
0x9e: {  	v3 =	vperm.xlane v3, v2;
	v4 =	vadd.s32 v1, v39;
	_ =	sdelay $0x1  }
0x9f: {  	v3 =	vadd.s32 v1, v3;
	_ =	sdelay $0x1  }
0xa0: {  	s20 =	simm.s32 $0xA300  }
0xa1: {  	[tilespmem:s20], [sflag:$0x2] =	stream.indirect_vreg.gather [hbm4b:s1+s3], $0x80, v4, vm0, $0xb8;
	[tilespmem:$0x1DF00] =	vst v63  }
0xa2: {  	s21 =	simm.s32 $0xAB00  }
0xa3: {  	[tilespmem:s21], [sflag:$0x2] =	stream.indirect_vreg.gather [hbm4b:s1+s3], $0x80, v3, vm0, $0xb8;
	[tilespmem:$0x1DF00] =	vst v63  }
0xa4: {  	v3 =	vld [tilespmem:$0x27E0];
	_ =	sdelay $0x4  }
0xa5: {  	v40 =	vperm.xlane v3, v0;
	_ =	sdelay $0x1  }
0xa6: {  	v3 =	vperm.xlane v3, v2;
	v4 =	vadd.s32 v1, v40;
	_ =	sdelay $0x1  }
0xa7: {  	v3 =	vadd.s32 v1, v3;
	_ =	sdelay $0x1  }
0xa8: {  	s22 =	simm.s32 $0xB300  }
0xa9: {  	[tilespmem:s22], [sflag:$0x2] =	stream.indirect_vreg.gather [hbm4b:s1+s3], $0x80, v4, vm0, $0xb8;
	[tilespmem:$0x1DF00] =	vst v63  }
0xaa: {  	s24 =	simm.s32 $0xBB00  }
0xab: {  	[tilespmem:s24], [sflag:$0x2] =	stream.indirect_vreg.gather [hbm4b:s1+s3], $0x80, v3, vm0, $0xb8;
	[tilespmem:$0x1DF00] =	vst v63  }
0xac: {  	v3 =	vld [tilespmem:$0x27F0];
	_ =	sdelay $0x4  }
0xad: {  	v41 =	vperm.xlane v3, v0;
	_ =	sdelay $0x1  }
0xae: {  	v3 =	vperm.xlane v3, v2;
	v4 =	vadd.s32 v1, v41;
	_ =	sdelay $0x1  }
0xaf: {  	v3 =	vadd.s32 v1, v3;
	_ =	sdelay $0x1  }
0xb0: {  	s20 =	simm.s32 $0xC300  }
0xb1: {  	[tilespmem:s20], [sflag:$0x2] =	stream.indirect_vreg.gather [hbm4b:s1+s3], $0x80, v4, vm0, $0xb8;
	[tilespmem:$0x1DF00] =	vst v63  }
0xb2: {  	s21 =	simm.s32 $0xCB00  }
0xb3: {  	[tilespmem:s21], [sflag:$0x2] =	stream.indirect_vreg.gather [hbm4b:s1+s3], $0x80, v3, vm0, $0xb8;
	[tilespmem:$0x1DF00] =	vst v63  }
0xb4: {  	v3 =	vld [tilespmem:$0x2800];
	_ =	sdelay $0x4  }
0xb5: {  	v42 =	vperm.xlane v3, v0;
	_ =	sdelay $0x1  }
0xb6: {  	v3 =	vperm.xlane v3, v2;
	v4 =	vadd.s32 v1, v42;
	_ =	sdelay $0x1  }
0xb7: {  	v3 =	vadd.s32 v1, v3;
	_ =	sdelay $0x1  }
0xb8: {  	s22 =	simm.s32 $0xD300  }
0xb9: {  	[tilespmem:s22], [sflag:$0x2] =	stream.indirect_vreg.gather [hbm4b:s1+s3], $0x80, v4, vm0, $0xb8;
	[tilespmem:$0x1DF00] =	vst v63  }
0xba: {  	s24 =	simm.s32 $0xDB00  }
0xbb: {  	[tilespmem:s24], [sflag:$0x2] =	stream.indirect_vreg.gather [hbm4b:s1+s3], $0x80, v3, vm0, $0xb8;
	[tilespmem:$0x1DF00] =	vst v63  }
0xbc: {  	v3 =	vld [tilespmem:$0x2810];
	_ =	sdelay $0x4  }
0xbd: {  	v43 =	vperm.xlane v3, v0;
	_ =	sdelay $0x1  }
0xbe: {  	v3 =	vperm.xlane v3, v2;
	v4 =	vadd.s32 v1, v43;
	_ =	sdelay $0x1  }
0xbf: {  	v3 =	vadd.s32 v1, v3;
	_ =	sdelay $0x1  }
0xc0: {  	s20 =	simm.s32 $0xE300  }
0xc1: {  	[tilespmem:s20], [sflag:$0x2] =	stream.indirect_vreg.gather [hbm4b:s1+s3], $0x80, v4, vm0, $0xb8;
	[tilespmem:$0x1DF00] =	vst v63  }
0xc2: {  	s21 =	simm.s32 $0xEB00  }
0xc3: {  	[tilespmem:s21], [sflag:$0x2] =	stream.indirect_vreg.gather [hbm4b:s1+s3], $0x80, v3, vm0, $0xb8;
	[tilespmem:$0x1DF00] =	vst v63  }
0xc4: {  	v3 =	vld [tilespmem:$0xA0];
	_ =	sdelay $0x4  }
0xc5: {  	v44 =	vperm.xlane v3, v0;
	_ =	sdelay $0x1  }
0xc6: {  	v3 =	vperm.xlane v3, v2;
	v4 =	vadd.s32 v1, v44;
	_ =	sdelay $0x1  }
0xc7: {  	v3 =	vadd.s32 v1, v3;
	_ =	sdelay $0x2  }
0xc8: {  	[tilespmem:s23], [sflag:$0x3] =	stream.indirect_vreg.gather [hbm4b:s1+s3], $0x80, v4, vm0, $0xb8;
	[tilespmem:$0x1DF00] =	vst v63  }
0xc9: {  	s22 =	simm.s32 $0xF700  }
0xca: {  	[tilespmem:s22], [sflag:$0x3] =	stream.indirect_vreg.gather [hbm4b:s1+s3], $0x80, v3, vm0, $0xb8;
	[tilespmem:$0x1DF00] =	vst v63  }
0xcb: {  	v3 =	vld [tilespmem:$0xB0];
	_ =	sdelay $0x4  }
0xcc: {  	v45 =	vperm.xlane v3, v0;
	_ =	sdelay $0x1  }
0xcd: {  	v3 =	vperm.xlane v3, v2;
	v4 =	vadd.s32 v1, v45;
	_ =	sdelay $0x1  }
0xce: {  	v3 =	vadd.s32 v1, v3;
	_ =	sdelay $0x1  }
0xcf: {  	s24 =	simm.s32 $0xFF00  }
0xd0: {  	[tilespmem:s24], [sflag:$0x3] =	stream.indirect_vreg.gather [hbm4b:s1+s3], $0x80, v4, vm0, $0xb8;
	[tilespmem:$0x1DF00] =	vst v63  }
0xd1: {  	s20 =	simm.s32 $0x10700  }
0xd2: {  	[tilespmem:s20], [sflag:$0x3] =	stream.indirect_vreg.gather [hbm4b:s1+s3], $0x80, v3, vm0, $0xb8;
	[tilespmem:$0x1DF00] =	vst v63  }
0xd3: {  	v3 =	vld [tilespmem:$0xC0];
	_ =	sdelay $0x4  }
0xd4: {  	v46 =	vperm.xlane v3, v0;
	_ =	sdelay $0x1  }
0xd5: {  	v3 =	vperm.xlane v3, v2;
	v4 =	vadd.s32 v1, v46;
	_ =	sdelay $0x1  }
0xd6: {  	v3 =	vadd.s32 v1, v3;
	_ =	sdelay $0x1  }
0xd7: {  	s21 =	simm.s32 $0x10F00  }
0xd8: {  	[tilespmem:s21], [sflag:$0x3] =	stream.indirect_vreg.gather [hbm4b:s1+s3], $0x80, v4, vm0, $0xb8;
	[tilespmem:$0x1DF00] =	vst v63  }
0xd9: {  	s22 =	simm.s32 $0x11700  }
0xda: {  	[tilespmem:s22], [sflag:$0x3] =	stream.indirect_vreg.gather [hbm4b:s1+s3], $0x80, v3, vm0, $0xb8;
	[tilespmem:$0x1DF00] =	vst v63  }
0xdb: {  	v3 =	vld [tilespmem:$0xD0];
	_ =	sdelay $0x4  }
0xdc: {  	v47 =	vperm.xlane v3, v0;
	_ =	sdelay $0x1  }
0xdd: {  	v3 =	vperm.xlane v3, v2;
	v4 =	vadd.s32 v1, v47;
	_ =	sdelay $0x1  }
0xde: {  	v3 =	vadd.s32 v1, v3;
	_ =	sdelay $0x1  }
0xdf: {  	s24 =	simm.s32 $0x11F00  }
0xe0: {  	[tilespmem:s24], [sflag:$0x3] =	stream.indirect_vreg.gather [hbm4b:s1+s3], $0x80, v4, vm0, $0xb8;
	[tilespmem:$0x1DF00] =	vst v63  }
0xe1: {  	s20 =	simm.s32 $0x12700  }
0xe2: {  	[tilespmem:s20], [sflag:$0x3] =	stream.indirect_vreg.gather [hbm4b:s1+s3], $0x80, v3, vm0, $0xb8;
	[tilespmem:$0x1DF00] =	vst v63  }
0xe3: {  	v3 =	vld [tilespmem:$0xE0];
	_ =	sdelay $0x4  }
0xe4: {  	v48 =	vperm.xlane v3, v0;
	_ =	sdelay $0x1  }
0xe5: {  	v3 =	vperm.xlane v3, v2;
	v4 =	vadd.s32 v1, v48;
	_ =	sdelay $0x1  }
0xe6: {  	v3 =	vadd.s32 v1, v3;
	_ =	sdelay $0x1  }
0xe7: {  	s21 =	simm.s32 $0x12F00  }
0xe8: {  	[tilespmem:s21], [sflag:$0x3] =	stream.indirect_vreg.gather [hbm4b:s1+s3], $0x80, v4, vm0, $0xb8;
	[tilespmem:$0x1DF00] =	vst v63  }
0xe9: {  	s22 =	simm.s32 $0x13700  }
0xea: {  	[tilespmem:s22], [sflag:$0x3] =	stream.indirect_vreg.gather [hbm4b:s1+s3], $0x80, v3, vm0, $0xb8;
	[tilespmem:$0x1DF00] =	vst v63  }
0xeb: {  	v3 =	vld [tilespmem:$0x2820];
	_ =	sdelay $0x4  }
0xec: {  	v49 =	vperm.xlane v3, v0;
	_ =	sdelay $0x1  }
0xed: {  	v3 =	vperm.xlane v3, v2;
	v4 =	vadd.s32 v1, v49;
	_ =	sdelay $0x1  }
0xee: {  	v3 =	vadd.s32 v1, v3;
	_ =	sdelay $0x1  }
0xef: {  	s24 =	simm.s32 $0xF300  }
0xf0: {  	[tilespmem:s24], [sflag:$0x3] =	stream.indirect_vreg.gather [hbm4b:s1+s3], $0x80, v4, vm0, $0xb8;
	[tilespmem:$0x1DF00] =	vst v63  }
0xf1: {  	s20 =	simm.s32 $0xFB00  }
0xf2: {  	[tilespmem:s20], [sflag:$0x3] =	stream.indirect_vreg.gather [hbm4b:s1+s3], $0x80, v3, vm0, $0xb8;
	[tilespmem:$0x1DF00] =	vst v63  }
0xf3: {  	v3 =	vld [tilespmem:$0x2830];
	_ =	sdelay $0x4  }
0xf4: {  	v50 =	vperm.xlane v3, v0;
	_ =	sdelay $0x1  }
0xf5: {  	v3 =	vperm.xlane v3, v2;
	v4 =	vadd.s32 v1, v50;
	_ =	sdelay $0x1  }
0xf6: {  	v3 =	vadd.s32 v1, v3;
	_ =	sdelay $0x1  }
0xf7: {  	s21 =	simm.s32 $0x10300  }
0xf8: {  	[tilespmem:s21], [sflag:$0x3] =	stream.indirect_vreg.gather [hbm4b:s1+s3], $0x80, v4, vm0, $0xb8;
	[tilespmem:$0x1DF00] =	vst v63  }
0xf9: {  	s22 =	simm.s32 $0x10B00  }
0xfa: {  	[tilespmem:s22], [sflag:$0x3] =	stream.indirect_vreg.gather [hbm4b:s1+s3], $0x80, v3, vm0, $0xb8;
	[tilespmem:$0x1DF00] =	vst v63  }
0xfb: {  	v3 =	vld [tilespmem:$0x2840];
	_ =	sdelay $0x4  }
0xfc: {  	v51 =	vperm.xlane v3, v0;
	_ =	sdelay $0x1  }
0xfd: {  	v3 =	vperm.xlane v3, v2;
	v4 =	vadd.s32 v1, v51;
	_ =	sdelay $0x1  }
0xfe: {  	v3 =	vadd.s32 v1, v3;
	_ =	sdelay $0x1  }
0xff: {  	s24 =	simm.s32 $0x11300  }
0x100: {  	[tilespmem:s24], [sflag:$0x3] =	stream.indirect_vreg.gather [hbm4b:s1+s3], $0x80, v4, vm0, $0xb8;
	[tilespmem:$0x1DF00] =	vst v63  }
0x101: {  	s20 =	simm.s32 $0x11B00  }
0x102: {  	[tilespmem:s20], [sflag:$0x3] =	stream.indirect_vreg.gather [hbm4b:s1+s3], $0x80, v3, vm0, $0xb8;
	[tilespmem:$0x1DF00] =	vst v63  }
0x103: {  	v3 =	vld [tilespmem:$0x2850];
	_ =	sdelay $0x4  }
0x104: {  	v52 =	vperm.xlane v3, v0;
	_ =	sdelay $0x1  }
0x105: {  	v3 =	vperm.xlane v3, v2;
	v4 =	vadd.s32 v1, v52;
	_ =	sdelay $0x1  }
0x106: {  	v3 =	vadd.s32 v1, v3;
	_ =	sdelay $0x1  }
0x107: {  	s21 =	simm.s32 $0x12300  }
0x108: {  	[tilespmem:s21], [sflag:$0x3] =	stream.indirect_vreg.gather [hbm4b:s1+s3], $0x80, v4, vm0, $0xb8;
	[tilespmem:$0x1DF00] =	vst v63  }
0x109: {  	s22 =	simm.s32 $0x12B00  }
0x10a: {  	[tilespmem:s22], [sflag:$0x3] =	stream.indirect_vreg.gather [hbm4b:s1+s3], $0x80, v3, vm0, $0xb8;
	[tilespmem:$0x1DF00] =	vst v63  }
0x10b: {  	v3 =	vld [tilespmem:$0x2860];
	_ =	sdelay $0x4  }
0x10c: {  	v53 =	vperm.xlane v3, v0;
	_ =	sdelay $0x1  }
0x10d: {  	v3 =	vperm.xlane v3, v2;
	v4 =	vadd.s32 v1, v53;
	_ =	sdelay $0x1  }
0x10e: {  	v3 =	vadd.s32 v1, v3;
	_ =	sdelay $0x1  }
0x10f: {  	s24 =	simm.s32 $0x13300  }
0x110: {  	[tilespmem:s24], [sflag:$0x3] =	stream.indirect_vreg.gather [hbm4b:s1+s3], $0x80, v4, vm0, $0xb8;
	[tilespmem:$0x1DF00] =	vst v63  }
0x111: {  	s20 =	simm.s32 $0x13B00  }
0x112: {  	[tilespmem:s20], [sflag:$0x3] =	stream.indirect_vreg.gather [hbm4b:s1+s3], $0x80, v3, vm0, $0xb8;
	[tilespmem:$0x1DF00] =	vst v63  }
0x113: {  	v3 =	vld [tilespmem:$0xF0];
	_ =	sdelay $0x4  }
0x114: {  	v54 =	vperm.xlane v3, v0;
	_ =	sdelay $0x1  }
0x115: {  	v3 =	vperm.xlane v3, v2;
	v4 =	vadd.s32 v1, v54;
	_ =	sdelay $0x1  }
0x116: {  	v3 =	vadd.s32 v1, v3;
	_ =	sdelay $0x2  }
0x117: {  	[tilespmem:s17], [sflag:$0x4] =	stream.indirect_vreg.gather [hbm4b:s1+s3], $0x80, v4, vm0, $0xb8;
	[tilespmem:$0x1DF00] =	vst v63  }
0x118: {  	s21 =	simm.s32 $0x14700  }
0x119: {  	[tilespmem:s21], [sflag:$0x4] =	stream.indirect_vreg.gather [hbm4b:s1+s3], $0x80, v3, vm0, $0xb8;
	[tilespmem:$0x1DF00] =	vst v63  }
0x11a: {  	v3 =	vld [tilespmem:$0x100];
	_ =	sdelay $0x4  }
0x11b: {  	v55 =	vperm.xlane v3, v0;
	_ =	sdelay $0x1  }
0x11c: {  	v3 =	vperm.xlane v3, v2;
	v4 =	vadd.s32 v1, v55;
	_ =	sdelay $0x1  }
0x11d: {  	v3 =	vadd.s32 v1, v3;
	_ =	sdelay $0x1  }
0x11e: {  	s22 =	simm.s32 $0x14F00  }
0x11f: {  	[tilespmem:s22], [sflag:$0x4] =	stream.indirect_vreg.gather [hbm4b:s1+s3], $0x80, v4, vm0, $0xb8;
	[tilespmem:$0x1DF00] =	vst v63  }
0x120: {  	s24 =	simm.s32 $0x15700  }
0x121: {  	[tilespmem:s24], [sflag:$0x4] =	stream.indirect_vreg.gather [hbm4b:s1+s3], $0x80, v3, vm0, $0xb8;
	[tilespmem:$0x1DF00] =	vst v63  }
0x122: {  	v3 =	vld [tilespmem:$0x110];
	_ =	sdelay $0x4  }
0x123: {  	v56 =	vperm.xlane v3, v0;
	_ =	sdelay $0x1  }
0x124: {  	v3 =	vperm.xlane v3, v2;
	v4 =	vadd.s32 v1, v56;
	_ =	sdelay $0x1  }
0x125: {  	v3 =	vadd.s32 v1, v3;
	_ =	sdelay $0x1  }
0x126: {  	s20 =	simm.s32 $0x15F00  }
0x127: {  	[tilespmem:s20], [sflag:$0x4] =	stream.indirect_vreg.gather [hbm4b:s1+s3], $0x80, v4, vm0, $0xb8;
	[tilespmem:$0x1DF00] =	vst v63  }
0x128: {  	s21 =	simm.s32 $0x16700  }
0x129: {  	[tilespmem:s21], [sflag:$0x4] =	stream.indirect_vreg.gather [hbm4b:s1+s3], $0x80, v3, vm0, $0xb8;
	[tilespmem:$0x1DF00] =	vst v63  }
0x12a: {  	v3 =	vld [tilespmem:$0x120];
	_ =	sdelay $0x4  }
0x12b: {  	v57 =	vperm.xlane v3, v0;
	_ =	sdelay $0x1  }
0x12c: {  	v3 =	vperm.xlane v3, v2;
	v4 =	vadd.s32 v1, v57;
	_ =	sdelay $0x1  }
0x12d: {  	v3 =	vadd.s32 v1, v3;
	_ =	sdelay $0x1  }
0x12e: {  	s22 =	simm.s32 $0x16F00  }
0x12f: {  	[tilespmem:s22], [sflag:$0x4] =	stream.indirect_vreg.gather [hbm4b:s1+s3], $0x80, v4, vm0, $0xb8;
	[tilespmem:$0x1DF00] =	vst v63  }
0x130: {  	s24 =	simm.s32 $0x17700  }
0x131: {  	[tilespmem:s24], [sflag:$0x4] =	stream.indirect_vreg.gather [hbm4b:s1+s3], $0x80, v3, vm0, $0xb8;
	[tilespmem:$0x1DF00] =	vst v63  }
0x132: {  	v3 =	vld [tilespmem:$0x130];
	_ =	sdelay $0x4  }
0x133: {  	v58 =	vperm.xlane v3, v0;
	_ =	sdelay $0x1  }
0x134: {  	v3 =	vperm.xlane v3, v2;
	v4 =	vadd.s32 v1, v58;
	_ =	sdelay $0x1  }
0x135: {  	v3 =	vadd.s32 v1, v3;
	_ =	sdelay $0x1  }
0x136: {  	s20 =	simm.s32 $0x17F00  }
0x137: {  	[tilespmem:s20], [sflag:$0x4] =	stream.indirect_vreg.gather [hbm4b:s1+s3], $0x80, v4, vm0, $0xb8;
	[tilespmem:$0x1DF00] =	vst v63  }
0x138: {  	s21 =	simm.s32 $0x18700  }
0x139: {  	[tilespmem:s21], [sflag:$0x4] =	stream.indirect_vreg.gather [hbm4b:s1+s3], $0x80, v3, vm0, $0xb8;
	[tilespmem:$0x1DF00] =	vst v63  }
0x13a: {  	v3 =	vld [tilespmem:$0x2870];
	_ =	sdelay $0x4  }
0x13b: {  	v59 =	vperm.xlane v3, v0;
	_ =	sdelay $0x1  }
0x13c: {  	v3 =	vperm.xlane v3, v2;
	v4 =	vadd.s32 v1, v59;
	_ =	sdelay $0x1  }
0x13d: {  	v3 =	vadd.s32 v1, v3;
	_ =	sdelay $0x1  }
0x13e: {  	s22 =	simm.s32 $0x14300  }
0x13f: {  	[tilespmem:s22], [sflag:$0x4] =	stream.indirect_vreg.gather [hbm4b:s1+s3], $0x80, v4, vm0, $0xb8;
	[tilespmem:$0x1DF00] =	vst v63  }
0x140: {  	s24 =	simm.s32 $0x14B00  }
0x141: {  	[tilespmem:s24], [sflag:$0x4] =	stream.indirect_vreg.gather [hbm4b:s1+s3], $0x80, v3, vm0, $0xb8;
	[tilespmem:$0x1DF00] =	vst v63  }
0x142: {  	v3 =	vld [tilespmem:$0x2880];
	_ =	sdelay $0x4  }
0x143: {  	v60 =	vperm.xlane v3, v0;
	_ =	sdelay $0x1  }
0x144: {  	v3 =	vperm.xlane v3, v2;
	v4 =	vadd.s32 v1, v60;
	_ =	sdelay $0x1  }
0x145: {  	v3 =	vadd.s32 v1, v3;
	_ =	sdelay $0x1  }
0x146: {  	s20 =	simm.s32 $0x15300  }
0x147: {  	[tilespmem:s20], [sflag:$0x4] =	stream.indirect_vreg.gather [hbm4b:s1+s3], $0x80, v4, vm0, $0xb8;
	[tilespmem:$0x1DF00] =	vst v63  }
0x148: {  	s21 =	simm.s32 $0x15B00  }
0x149: {  	[tilespmem:s21], [sflag:$0x4] =	stream.indirect_vreg.gather [hbm4b:s1+s3], $0x80, v3, vm0, $0xb8;
	[tilespmem:$0x1DF00] =	vst v63  }
0x14a: {  	v3 =	vld [tilespmem:$0x2890];
	_ =	sdelay $0x4  }
0x14b: {  	v61 =	vperm.xlane v3, v0;
	_ =	sdelay $0x1  }
0x14c: {  	v3 =	vperm.xlane v3, v2;
	v4 =	vadd.s32 v1, v61;
	_ =	sdelay $0x1  }
0x14d: {  	v3 =	vadd.s32 v1, v3;
	_ =	sdelay $0x1  }
0x14e: {  	s22 =	simm.s32 $0x16300  }
0x14f: {  	[tilespmem:s22], [sflag:$0x4] =	stream.indirect_vreg.gather [hbm4b:s1+s3], $0x80, v4, vm0, $0xb8;
	[tilespmem:$0x1DF00] =	vst v63  }
0x150: {  	s24 =	simm.s32 $0x16B00  }
0x151: {  	[tilespmem:s24], [sflag:$0x4] =	stream.indirect_vreg.gather [hbm4b:s1+s3], $0x80, v3, vm0, $0xb8;
	[tilespmem:$0x1DF00] =	vst v63  }
0x152: {  	v3 =	vld [tilespmem:$0x28A0];
	_ =	sdelay $0x4  }
0x153: {  	v62 =	vperm.xlane v3, v0;
	_ =	sdelay $0x1  }
0x154: {  	v3 =	vperm.xlane v3, v2;
	v4 =	vadd.s32 v1, v62;
	_ =	sdelay $0x1  }
0x155: {  	v3 =	vadd.s32 v1, v3;
	_ =	sdelay $0x1  }
0x156: {  	s20 =	simm.s32 $0x17300  }
0x157: {  	[tilespmem:s20], [sflag:$0x4] =	stream.indirect_vreg.gather [hbm4b:s1+s3], $0x80, v4, vm0, $0xb8;
	[tilespmem:$0x1DF00] =	vst v63  }
0x158: {  	s21 =	simm.s32 $0x17B00  }
0x159: {  	[tilespmem:s21], [sflag:$0x4] =	stream.indirect_vreg.gather [hbm4b:s1+s3], $0x80, v3, vm0, $0xb8;
	[tilespmem:$0x1DF00] =	vst v63  }
0x15a: {  	v3 =	vld [tilespmem:$0x28B0];
	_ =	sdelay $0x4  }
0x15b: {  	v63 =	vperm.xlane v3, v0;
	_ =	sdelay $0x1  }
0x15c: {  	v3 =	vperm.xlane v3, v2;
	v4 =	vadd.s32 v1, v63;
	_ =	sdelay $0x1  }
0x15d: {  	v3 =	vadd.s32 v1, v3  }
.Ltmp2:
0x15e: {  	_ = 	snop;
	(pc) =	sbr.rel .LBB2_2-.Ltmp2, $4  }
0x15f: {  	s19 =	simm.s32 $0x160;
	s22 =	simm.s32 $0x18300  }
0x160: {  	[tilespmem:s22], [sflag:$0x4] =	stream.indirect_vreg.gather [hbm4b:s1+s3], $0x80, v4, vm0, $0xb8;
	[tilespmem:$0x1DF00] =	vst v63  }
0x161: {  	s24 =	simm.s32 $0x18B00;
	s20 =	simm.s32 $0x28E0;
	s21 =	simm.s32 $0x0  }
0x162: {  	[tilespmem:s24], [sflag:$0x4] =	stream.indirect_vreg.gather [hbm4b:s1+s3], $0x80, v3, vm0, $0xb8;
	[tilespmem:$0x1DF00] =	vst v63  }
.LBB2_10:
0x163: {  	s21 =	sadd.s32 $0x3200, s21  }
0x164: {  	p0 =	sne.s32 s21, $0x4E200  }
.Ltmp3:
0x165: {  	_ = 	snop;
	(pc) =	sbr.rel @!p0 .LBB2_11-.Ltmp3, $4  }
0x166: {  	_ =	swait.ge [sflag:s18], $0x5000  }
0x167: {  	s22 =	sadd.s32 $0x2800, s22;
	[sflag:s18] =	ssyncset.done $0x0  }
0x168: {  	s19 =	sadd.s32 $0x190, s19;
	s20 =	sadd.s32 $0x190, s20;
	[sflag:s18] =	ssyncadd.s32 $0xFFFFB000  }
0x169: {  	[hbm4b:s22+s3] =	stream.linear.scatter [tilespmem:s12], [sflag:$0xA], $0x5000, $0x38;
	[tilespmem:$0x1DF00] =	vst v63  }
.LBB2_2:
0x16a: {  	p0 =	seq.s32 s21, $0x0  }
0x16b: {  	s22 =	simm.s32 @!p0 $0xA  }
0x16c: {  	_ =	swait.ge @!p0 [sflag:s22], $0x5000  }
0x16d: {  	[sflag:s22] =	ssyncset.done @!p0 $0x0  }
0x16e: {  	[sflag:s22] =	ssyncadd.s32 @!p0 $0xFFFFB000  }
0x16f: {  	v3 =	vld [tilespmem:s19+$0xFFFFFFE0];
	_ =	sdelay $0x4  }
0x170: {  	v4 =	vperm.xlane v3, v0;
	_ =	sdelay $0x1  }
0x171: {  	v3 =	vperm.xlane v3, v2;
	v4 =	vadd.s32 v1, v4;
	_ =	sdelay $0x1  }
0x172: {  	v3 =	vadd.s32 v1, v3;
	_ =	sdelay $0x2  }
0x173: {  	[tilespmem:s12], [sflag:$0x5] =	stream.indirect_vreg.gather [hbm4b:s1+s3], $0x80, v4, vm0, $0xb8;
	[tilespmem:$0x1DF00] =	vst v63  }
0x174: {  	s24 =	simm.s32 $0x19700  }
0x175: {  	[tilespmem:s24], [sflag:$0x5] =	stream.indirect_vreg.gather [hbm4b:s1+s3], $0x80, v3, vm0, $0xb8;
	[tilespmem:$0x1DF00] =	vst v63  }
0x176: {  	v3 =	vld [tilespmem:s19+$0xFFFFFFF0];
	_ =	sdelay $0x4  }
0x177: {  	v55 =	vperm.xlane v3, v0;
	_ =	sdelay $0x1  }
0x178: {  	v3 =	vperm.xlane v3, v2;
	v4 =	vadd.s32 v1, v55;
	_ =	sdelay $0x1  }
0x179: {  	v3 =	vadd.s32 v1, v3;
	_ =	sdelay $0x1  }
0x17a: {  	s24 =	simm.s32 $0x19F00  }
0x17b: {  	[tilespmem:s24], [sflag:$0x5] =	stream.indirect_vreg.gather [hbm4b:s1+s3], $0x80, v4, vm0, $0xb8;
	[tilespmem:$0x1DF00] =	vst v63  }
0x17c: {  	s24 =	simm.s32 $0x1A700  }
0x17d: {  	[tilespmem:s24], [sflag:$0x5] =	stream.indirect_vreg.gather [hbm4b:s1+s3], $0x80, v3, vm0, $0xb8;
	[tilespmem:$0x1DF00] =	vst v63  }
0x17e: {  	v3 =	vld [tilespmem:s19+$0x0];
	_ =	sdelay $0x4  }
0x17f: {  	v56 =	vperm.xlane v3, v0;
	_ =	sdelay $0x1  }
0x180: {  	v3 =	vperm.xlane v3, v2;
	v4 =	vadd.s32 v1, v56;
	_ =	sdelay $0x1  }
0x181: {  	v3 =	vadd.s32 v1, v3;
	_ =	sdelay $0x1  }
0x182: {  	s24 =	simm.s32 $0x1AF00  }
0x183: {  	[tilespmem:s24], [sflag:$0x5] =	stream.indirect_vreg.gather [hbm4b:s1+s3], $0x80, v4, vm0, $0xb8;
	[tilespmem:$0x1DF00] =	vst v63  }
0x184: {  	s24 =	simm.s32 $0x1B700  }
0x185: {  	[tilespmem:s24], [sflag:$0x5] =	stream.indirect_vreg.gather [hbm4b:s1+s3], $0x80, v3, vm0, $0xb8;
	[tilespmem:$0x1DF00] =	vst v63  }
0x186: {  	v3 =	vld [tilespmem:s19+$0x10];
	_ =	sdelay $0x4  }
0x187: {  	v57 =	vperm.xlane v3, v0;
	_ =	sdelay $0x1  }
0x188: {  	v3 =	vperm.xlane v3, v2;
	v4 =	vadd.s32 v1, v57;
	_ =	sdelay $0x1  }
0x189: {  	v3 =	vadd.s32 v1, v3;
	_ =	sdelay $0x1  }
0x18a: {  	s24 =	simm.s32 $0x1BF00  }
0x18b: {  	[tilespmem:s24], [sflag:$0x5] =	stream.indirect_vreg.gather [hbm4b:s1+s3], $0x80, v4, vm0, $0xb8;
	[tilespmem:$0x1DF00] =	vst v63  }
0x18c: {  	s24 =	simm.s32 $0x1C700  }
0x18d: {  	[tilespmem:s24], [sflag:$0x5] =	stream.indirect_vreg.gather [hbm4b:s1+s3], $0x80, v3, vm0, $0xb8;
	[tilespmem:$0x1DF00] =	vst v63  }
0x18e: {  	v3 =	vld [tilespmem:s19+$0x20];
	_ =	sdelay $0x4  }
0x18f: {  	v58 =	vperm.xlane v3, v0;
	_ =	sdelay $0x1  }
0x190: {  	v3 =	vperm.xlane v3, v2;
	v4 =	vadd.s32 v1, v58;
	_ =	sdelay $0x1  }
0x191: {  	v3 =	vadd.s32 v1, v3;
	_ =	sdelay $0x1  }
0x192: {  	s24 =	simm.s32 $0x1CF00  }
0x193: {  	[tilespmem:s24], [sflag:$0x5] =	stream.indirect_vreg.gather [hbm4b:s1+s3], $0x80, v4, vm0, $0xb8;
	[tilespmem:$0x1DF00] =	vst v63  }
0x194: {  	s24 =	simm.s32 $0x1D700  }
0x195: {  	[tilespmem:s24], [sflag:$0x5] =	stream.indirect_vreg.gather [hbm4b:s1+s3], $0x80, v3, vm0, $0xb8;
	[tilespmem:$0x1DF00] =	vst v63  }
0x196: {  	v3 =	vld [tilespmem:s20+$0xFFFFFFE0];
	_ =	sdelay $0x4  }
0x197: {  	v59 =	vperm.xlane v3, v0;
	_ =	sdelay $0x1  }
0x198: {  	v3 =	vperm.xlane v3, v2;
	v4 =	vadd.s32 v1, v59;
	_ =	sdelay $0x1  }
0x199: {  	v3 =	vadd.s32 v1, v3;
	_ =	sdelay $0x1  }
0x19a: {  	s24 =	simm.s32 $0x19300  }
0x19b: {  	[tilespmem:s24], [sflag:$0x5] =	stream.indirect_vreg.gather [hbm4b:s1+s3], $0x80, v4, vm0, $0xb8;
	[tilespmem:$0x1DF00] =	vst v63  }
0x19c: {  	_ = 	snop  }
0x19d: {  	[tilespmem:s25], [sflag:$0x5] =	stream.indirect_vreg.gather [hbm4b:s1+s3], $0x80, v3, vm0, $0xb8;
	[tilespmem:$0x1DF00] =	vst v63  }
0x19e: {  	v3 =	vld [tilespmem:s20+$0xFFFFFFF0];
	_ =	sdelay $0x4  }
0x19f: {  	v60 =	vperm.xlane v3, v0;
	_ =	sdelay $0x1  }
0x1a0: {  	v3 =	vperm.xlane v3, v2;
	v4 =	vadd.s32 v1, v60;
	_ =	sdelay $0x1  }
0x1a1: {  	v3 =	vadd.s32 v1, v3;
	_ =	sdelay $0x2  }
0x1a2: {  	[tilespmem:s26], [sflag:$0x5] =	stream.indirect_vreg.gather [hbm4b:s1+s3], $0x80, v4, vm0, $0xb8;
	[tilespmem:$0x1DF00] =	vst v63  }
0x1a3: {  	_ = 	snop  }
0x1a4: {  	[tilespmem:s28], [sflag:$0x5] =	stream.indirect_vreg.gather [hbm4b:s1+s3], $0x80, v3, vm0, $0xb8;
	[tilespmem:$0x1DF00] =	vst v63  }
0x1a5: {  	v3 =	vld [tilespmem:s20+$0x0];
	_ =	sdelay $0x4  }
0x1a6: {  	v61 =	vperm.xlane v3, v0;
	_ =	sdelay $0x1  }
0x1a7: {  	v3 =	vperm.xlane v3, v2;
	v4 =	vadd.s32 v1, v61;
	_ =	sdelay $0x1  }
0x1a8: {  	v3 =	vadd.s32 v1, v3;
	_ =	sdelay $0x2  }
0x1a9: {  	[tilespmem:s29], [sflag:$0x5] =	stream.indirect_vreg.gather [hbm4b:s1+s3], $0x80, v4, vm0, $0xb8;
	[tilespmem:$0x1DF00] =	vst v63  }
0x1aa: {  	_ = 	snop  }
0x1ab: {  	[tilespmem:s30], [sflag:$0x5] =	stream.indirect_vreg.gather [hbm4b:s1+s3], $0x80, v3, vm0, $0xb8;
	[tilespmem:$0x1DF00] =	vst v63  }
0x1ac: {  	v3 =	vld [tilespmem:s20+$0x10];
	_ =	sdelay $0x4  }
0x1ad: {  	v62 =	vperm.xlane v3, v0;
	_ =	sdelay $0x1  }
0x1ae: {  	v3 =	vperm.xlane v3, v2;
	v4 =	vadd.s32 v1, v62;
	_ =	sdelay $0x1  }
0x1af: {  	v3 =	vadd.s32 v1, v3;
	_ =	sdelay $0x2  }
0x1b0: {  	[tilespmem:s2], [sflag:$0x5] =	stream.indirect_vreg.gather [hbm4b:s1+s3], $0x80, v4, vm0, $0xb8;
	[tilespmem:$0x1DF00] =	vst v63  }
0x1b1: {  	_ = 	snop  }
0x1b2: {  	[tilespmem:s0], [sflag:$0x5] =	stream.indirect_vreg.gather [hbm4b:s1+s3], $0x80, v3, vm0, $0xb8;
	[tilespmem:$0x1DF00] =	vst v63  }
0x1b3: {  	v3 =	vld [tilespmem:s20+$0x20];
	_ =	sdelay $0x4  }
0x1b4: {  	v63 =	vperm.xlane v3, v0;
	_ =	sdelay $0x1  }
0x1b5: {  	v3 =	vperm.xlane v3, v2;
	v4 =	vadd.s32 v1, v63;
	_ =	sdelay $0x1  }
0x1b6: {  	v3 =	vadd.s32 v1, v3;
	_ =	sdelay $0x2  }
0x1b7: {  	[tilespmem:s9], [sflag:$0x5] =	stream.indirect_vreg.gather [hbm4b:s1+s3], $0x80, v4, vm0, $0xb8;
	[tilespmem:$0x1DF00] =	vst v63  }
0x1b8: {  	_ = 	snop  }
0x1b9: {  	[tilespmem:s4], [sflag:$0x5] =	stream.indirect_vreg.gather [hbm4b:s1+s3], $0x80, v3, vm0, $0xb8;
	[tilespmem:$0x1DF00] =	vst v63  }
0x1ba: {  	_ =	swait.ge [sflag:s5], $0x5000  }
0x1bb: {  	p0 =	seq.s32 s21, $0x4B000;
	[sflag:s5] =	ssyncset.done $0x0  }
.Ltmp4:
0x1bc: {  	s22 =	sadd.s32 s21, s7;
	[sflag:s5] =	ssyncadd.s32 $0xFFFFB000;
	(pc) =	sbr.rel @p0 .LBB2_4-.Ltmp4, $4  }
0x1bd: {  	[hbm4b:s22+s3] =	stream.linear.scatter [tilespmem:s10], [sflag:$0x6], $0x5000, $0x38;
	[tilespmem:$0x1DF00] =	vst v63  }
0x1be: {  	_ =	swait.ge [sflag:s6], $0x5000  }
0x1bf: {  	[sflag:s6] =	ssyncset.done $0x0  }
0x1c0: {  	[sflag:s6] =	ssyncadd.s32 $0xFFFFB000  }
0x1c1: {  	v3 =	vld [tilespmem:s19+$0x30];
	_ =	sdelay $0x4  }
0x1c2: {  	v4 =	vperm.xlane v3, v0;
	_ =	sdelay $0x1  }
0x1c3: {  	v3 =	vperm.xlane v3, v2;
	v4 =	vadd.s32 v1, v4;
	_ =	sdelay $0x1  }
0x1c4: {  	v3 =	vadd.s32 v1, v3;
	_ =	sdelay $0x2  }
0x1c5: {  	[tilespmem:s10], [sflag:$0x1] =	stream.indirect_vreg.gather [hbm4b:s1+s3], $0x80, v4, vm0, $0xb8;
	[tilespmem:$0x1DF00] =	vst v63  }
0x1c6: {  	s24 =	simm.s32 $0x5700  }
0x1c7: {  	[tilespmem:s24], [sflag:$0x1] =	stream.indirect_vreg.gather [hbm4b:s1+s3], $0x80, v3, vm0, $0xb8;
	[tilespmem:$0x1DF00] =	vst v63  }
0x1c8: {  	v3 =	vld [tilespmem:s19+$0x40];
	_ =	sdelay $0x4  }
0x1c9: {  	v55 =	vperm.xlane v3, v0;
	_ =	sdelay $0x1  }
0x1ca: {  	v3 =	vperm.xlane v3, v2;
	v4 =	vadd.s32 v1, v55;
	_ =	sdelay $0x1  }
0x1cb: {  	v3 =	vadd.s32 v1, v3;
	_ =	sdelay $0x1  }
0x1cc: {  	s24 =	simm.s32 $0x5F00  }
0x1cd: {  	[tilespmem:s24], [sflag:$0x1] =	stream.indirect_vreg.gather [hbm4b:s1+s3], $0x80, v4, vm0, $0xb8;
	[tilespmem:$0x1DF00] =	vst v63  }
0x1ce: {  	s24 =	simm.s32 $0x6700  }
0x1cf: {  	[tilespmem:s24], [sflag:$0x1] =	stream.indirect_vreg.gather [hbm4b:s1+s3], $0x80, v3, vm0, $0xb8;
	[tilespmem:$0x1DF00] =	vst v63  }
0x1d0: {  	v3 =	vld [tilespmem:s19+$0x50];
	_ =	sdelay $0x4  }
0x1d1: {  	v56 =	vperm.xlane v3, v0;
	_ =	sdelay $0x1  }
0x1d2: {  	v3 =	vperm.xlane v3, v2;
	v4 =	vadd.s32 v1, v56;
	_ =	sdelay $0x1  }
0x1d3: {  	v3 =	vadd.s32 v1, v3;
	_ =	sdelay $0x1  }
0x1d4: {  	s24 =	simm.s32 $0x6F00  }
0x1d5: {  	[tilespmem:s24], [sflag:$0x1] =	stream.indirect_vreg.gather [hbm4b:s1+s3], $0x80, v4, vm0, $0xb8;
	[tilespmem:$0x1DF00] =	vst v63  }
0x1d6: {  	s24 =	simm.s32 $0x7700  }
0x1d7: {  	[tilespmem:s24], [sflag:$0x1] =	stream.indirect_vreg.gather [hbm4b:s1+s3], $0x80, v3, vm0, $0xb8;
	[tilespmem:$0x1DF00] =	vst v63  }
0x1d8: {  	v3 =	vld [tilespmem:s19+$0x60];
	_ =	sdelay $0x4  }
0x1d9: {  	v57 =	vperm.xlane v3, v0;
	_ =	sdelay $0x1  }
0x1da: {  	v3 =	vperm.xlane v3, v2;
	v4 =	vadd.s32 v1, v57;
	_ =	sdelay $0x1  }
0x1db: {  	v3 =	vadd.s32 v1, v3;
	_ =	sdelay $0x1  }
0x1dc: {  	s24 =	simm.s32 $0x7F00  }
0x1dd: {  	[tilespmem:s24], [sflag:$0x1] =	stream.indirect_vreg.gather [hbm4b:s1+s3], $0x80, v4, vm0, $0xb8;
	[tilespmem:$0x1DF00] =	vst v63  }
0x1de: {  	s24 =	simm.s32 $0x8700  }
0x1df: {  	[tilespmem:s24], [sflag:$0x1] =	stream.indirect_vreg.gather [hbm4b:s1+s3], $0x80, v3, vm0, $0xb8;
	[tilespmem:$0x1DF00] =	vst v63  }
0x1e0: {  	v3 =	vld [tilespmem:s19+$0x70];
	_ =	sdelay $0x4  }
0x1e1: {  	v58 =	vperm.xlane v3, v0;
	_ =	sdelay $0x1  }
0x1e2: {  	v3 =	vperm.xlane v3, v2;
	v4 =	vadd.s32 v1, v58;
	_ =	sdelay $0x1  }
0x1e3: {  	v3 =	vadd.s32 v1, v3;
	_ =	sdelay $0x1  }
0x1e4: {  	s24 =	simm.s32 $0x8F00  }
0x1e5: {  	[tilespmem:s24], [sflag:$0x1] =	stream.indirect_vreg.gather [hbm4b:s1+s3], $0x80, v4, vm0, $0xb8;
	[tilespmem:$0x1DF00] =	vst v63  }
0x1e6: {  	s24 =	simm.s32 $0x9700  }
0x1e7: {  	[tilespmem:s24], [sflag:$0x1] =	stream.indirect_vreg.gather [hbm4b:s1+s3], $0x80, v3, vm0, $0xb8;
	[tilespmem:$0x1DF00] =	vst v63  }
0x1e8: {  	v3 =	vld [tilespmem:s20+$0x30];
	_ =	sdelay $0x4  }
0x1e9: {  	v59 =	vperm.xlane v3, v0;
	_ =	sdelay $0x1  }
0x1ea: {  	v3 =	vperm.xlane v3, v2;
	v4 =	vadd.s32 v1, v59;
	_ =	sdelay $0x1  }
0x1eb: {  	v3 =	vadd.s32 v1, v3;
	_ =	sdelay $0x1  }
0x1ec: {  	s24 =	simm.s32 $0x5300  }
0x1ed: {  	[tilespmem:s24], [sflag:$0x1] =	stream.indirect_vreg.gather [hbm4b:s1+s3], $0x80, v4, vm0, $0xb8;
	[tilespmem:$0x1DF00] =	vst v63  }
0x1ee: {  	s24 =	simm.s32 $0x5B00  }
0x1ef: {  	[tilespmem:s24], [sflag:$0x1] =	stream.indirect_vreg.gather [hbm4b:s1+s3], $0x80, v3, vm0, $0xb8;
	[tilespmem:$0x1DF00] =	vst v63  }
0x1f0: {  	v3 =	vld [tilespmem:s20+$0x40];
	_ =	sdelay $0x4  }
0x1f1: {  	v60 =	vperm.xlane v3, v0;
	_ =	sdelay $0x1  }
0x1f2: {  	v3 =	vperm.xlane v3, v2;
	v4 =	vadd.s32 v1, v60;
	_ =	sdelay $0x1  }
0x1f3: {  	v3 =	vadd.s32 v1, v3;
	_ =	sdelay $0x1  }
0x1f4: {  	s24 =	simm.s32 $0x6300  }
0x1f5: {  	[tilespmem:s24], [sflag:$0x1] =	stream.indirect_vreg.gather [hbm4b:s1+s3], $0x80, v4, vm0, $0xb8;
	[tilespmem:$0x1DF00] =	vst v63  }
0x1f6: {  	s24 =	simm.s32 $0x6B00  }
0x1f7: {  	[tilespmem:s24], [sflag:$0x1] =	stream.indirect_vreg.gather [hbm4b:s1+s3], $0x80, v3, vm0, $0xb8;
	[tilespmem:$0x1DF00] =	vst v63  }
0x1f8: {  	v3 =	vld [tilespmem:s20+$0x50];
	_ =	sdelay $0x4  }
0x1f9: {  	v61 =	vperm.xlane v3, v0;
	_ =	sdelay $0x1  }
0x1fa: {  	v3 =	vperm.xlane v3, v2;
	v4 =	vadd.s32 v1, v61;
	_ =	sdelay $0x1  }
0x1fb: {  	v3 =	vadd.s32 v1, v3;
	_ =	sdelay $0x1  }
0x1fc: {  	s24 =	simm.s32 $0x7300  }
0x1fd: {  	[tilespmem:s24], [sflag:$0x1] =	stream.indirect_vreg.gather [hbm4b:s1+s3], $0x80, v4, vm0, $0xb8;
	[tilespmem:$0x1DF00] =	vst v63  }
0x1fe: {  	s24 =	simm.s32 $0x7B00  }
0x1ff: {  	[tilespmem:s24], [sflag:$0x1] =	stream.indirect_vreg.gather [hbm4b:s1+s3], $0x80, v3, vm0, $0xb8;
	[tilespmem:$0x1DF00] =	vst v63  }
0x200: {  	v3 =	vld [tilespmem:s20+$0x60];
	_ =	sdelay $0x4  }
0x201: {  	v62 =	vperm.xlane v3, v0;
	_ =	sdelay $0x1  }
0x202: {  	v3 =	vperm.xlane v3, v2;
	v4 =	vadd.s32 v1, v62;
	_ =	sdelay $0x1  }
0x203: {  	v3 =	vadd.s32 v1, v3;
	_ =	sdelay $0x1  }
0x204: {  	s24 =	simm.s32 $0x8300  }
0x205: {  	[tilespmem:s24], [sflag:$0x1] =	stream.indirect_vreg.gather [hbm4b:s1+s3], $0x80, v4, vm0, $0xb8;
	[tilespmem:$0x1DF00] =	vst v63  }
0x206: {  	s24 =	simm.s32 $0x8B00  }
0x207: {  	[tilespmem:s24], [sflag:$0x1] =	stream.indirect_vreg.gather [hbm4b:s1+s3], $0x80, v3, vm0, $0xb8;
	[tilespmem:$0x1DF00] =	vst v63  }
0x208: {  	v3 =	vld [tilespmem:s20+$0x70];
	_ =	sdelay $0x4  }
0x209: {  	v63 =	vperm.xlane v3, v0;
	_ =	sdelay $0x1  }
0x20a: {  	v3 =	vperm.xlane v3, v2;
	v4 =	vadd.s32 v1, v63;
	_ =	sdelay $0x1  }
0x20b: {  	v3 =	vadd.s32 v1, v3;
	_ =	sdelay $0x1  }
0x20c: {  	s24 =	simm.s32 $0x9300  }
0x20d: {  	[tilespmem:s24], [sflag:$0x1] =	stream.indirect_vreg.gather [hbm4b:s1+s3], $0x80, v4, vm0, $0xb8;
	[tilespmem:$0x1DF00] =	vst v63  }
0x20e: {  	s24 =	simm.s32 $0x9B00  }
0x20f: {  	[tilespmem:s24], [sflag:$0x1] =	stream.indirect_vreg.gather [hbm4b:s1+s3], $0x80, v3, vm0, $0xb8;
	[tilespmem:$0x1DF00] =	vst v63  }
.LBB2_4:
0x210: {  	_ =	swait.ge [sflag:s8], $0x5000  }
0x211: {  	[sflag:s8] =	ssyncset.done $0x0  }
.Ltmp5:
0x212: {  	s24 =	sadd.s32 $0xA00, s22;
	[sflag:s8] =	ssyncadd.s32 $0xFFFFB000;
	(pc) =	sbr.rel @p0 .LBB2_6-.Ltmp5, $4  }
0x213: {  	[hbm4b:s24+s3] =	stream.linear.scatter [tilespmem:s31], [sflag:$0x7], $0x5000, $0x38;
	[tilespmem:$0x1DF00] =	vst v63  }
0x214: {  	_ =	swait.ge [sflag:s11], $0x5000  }
0x215: {  	[sflag:s11] =	ssyncset.done $0x0  }
0x216: {  	[sflag:s11] =	ssyncadd.s32 $0xFFFFB000  }
0x217: {  	v3 =	vld [tilespmem:s19+$0x80];
	_ =	sdelay $0x4  }
0x218: {  	v4 =	vperm.xlane v3, v0;
	_ =	sdelay $0x1  }
0x219: {  	v3 =	vperm.xlane v3, v2;
	v4 =	vadd.s32 v1, v4;
	_ =	sdelay $0x1  }
0x21a: {  	v3 =	vadd.s32 v1, v3;
	_ =	sdelay $0x2  }
0x21b: {  	[tilespmem:s31], [sflag:$0x2] =	stream.indirect_vreg.gather [hbm4b:s1+s3], $0x80, v4, vm0, $0xb8;
	[tilespmem:$0x1DF00] =	vst v63  }
0x21c: {  	s24 =	simm.s32 $0xA700  }
0x21d: {  	[tilespmem:s24], [sflag:$0x2] =	stream.indirect_vreg.gather [hbm4b:s1+s3], $0x80, v3, vm0, $0xb8;
	[tilespmem:$0x1DF00] =	vst v63  }
0x21e: {  	v3 =	vld [tilespmem:s19+$0x90];
	_ =	sdelay $0x4  }
0x21f: {  	v55 =	vperm.xlane v3, v0;
	_ =	sdelay $0x1  }
0x220: {  	v3 =	vperm.xlane v3, v2;
	v4 =	vadd.s32 v1, v55;
	_ =	sdelay $0x1  }
0x221: {  	v3 =	vadd.s32 v1, v3;
	_ =	sdelay $0x1  }
0x222: {  	s24 =	simm.s32 $0xAF00  }
0x223: {  	[tilespmem:s24], [sflag:$0x2] =	stream.indirect_vreg.gather [hbm4b:s1+s3], $0x80, v4, vm0, $0xb8;
	[tilespmem:$0x1DF00] =	vst v63  }
0x224: {  	s24 =	simm.s32 $0xB700  }
0x225: {  	[tilespmem:s24], [sflag:$0x2] =	stream.indirect_vreg.gather [hbm4b:s1+s3], $0x80, v3, vm0, $0xb8;
	[tilespmem:$0x1DF00] =	vst v63  }
0x226: {  	v3 =	vld [tilespmem:s19+$0xA0];
	_ =	sdelay $0x4  }
0x227: {  	v56 =	vperm.xlane v3, v0;
	_ =	sdelay $0x1  }
0x228: {  	v3 =	vperm.xlane v3, v2;
	v4 =	vadd.s32 v1, v56;
	_ =	sdelay $0x1  }
0x229: {  	v3 =	vadd.s32 v1, v3;
	_ =	sdelay $0x1  }
0x22a: {  	s24 =	simm.s32 $0xBF00  }
0x22b: {  	[tilespmem:s24], [sflag:$0x2] =	stream.indirect_vreg.gather [hbm4b:s1+s3], $0x80, v4, vm0, $0xb8;
	[tilespmem:$0x1DF00] =	vst v63  }
0x22c: {  	s24 =	simm.s32 $0xC700  }
0x22d: {  	[tilespmem:s24], [sflag:$0x2] =	stream.indirect_vreg.gather [hbm4b:s1+s3], $0x80, v3, vm0, $0xb8;
	[tilespmem:$0x1DF00] =	vst v63  }
0x22e: {  	v3 =	vld [tilespmem:s19+$0xB0];
	_ =	sdelay $0x4  }
0x22f: {  	v57 =	vperm.xlane v3, v0;
	_ =	sdelay $0x1  }
0x230: {  	v3 =	vperm.xlane v3, v2;
	v4 =	vadd.s32 v1, v57;
	_ =	sdelay $0x1  }
0x231: {  	v3 =	vadd.s32 v1, v3;
	_ =	sdelay $0x1  }
0x232: {  	s24 =	simm.s32 $0xCF00  }
0x233: {  	[tilespmem:s24], [sflag:$0x2] =	stream.indirect_vreg.gather [hbm4b:s1+s3], $0x80, v4, vm0, $0xb8;
	[tilespmem:$0x1DF00] =	vst v63  }
0x234: {  	s24 =	simm.s32 $0xD700  }
0x235: {  	[tilespmem:s24], [sflag:$0x2] =	stream.indirect_vreg.gather [hbm4b:s1+s3], $0x80, v3, vm0, $0xb8;
	[tilespmem:$0x1DF00] =	vst v63  }
0x236: {  	v3 =	vld [tilespmem:s19+$0xC0];
	_ =	sdelay $0x4  }
0x237: {  	v58 =	vperm.xlane v3, v0;
	_ =	sdelay $0x1  }
0x238: {  	v3 =	vperm.xlane v3, v2;
	v4 =	vadd.s32 v1, v58;
	_ =	sdelay $0x1  }
0x239: {  	v3 =	vadd.s32 v1, v3;
	_ =	sdelay $0x1  }
0x23a: {  	s24 =	simm.s32 $0xDF00  }
0x23b: {  	[tilespmem:s24], [sflag:$0x2] =	stream.indirect_vreg.gather [hbm4b:s1+s3], $0x80, v4, vm0, $0xb8;
	[tilespmem:$0x1DF00] =	vst v63  }
0x23c: {  	s24 =	simm.s32 $0xE700  }
0x23d: {  	[tilespmem:s24], [sflag:$0x2] =	stream.indirect_vreg.gather [hbm4b:s1+s3], $0x80, v3, vm0, $0xb8;
	[tilespmem:$0x1DF00] =	vst v63  }
0x23e: {  	v3 =	vld [tilespmem:s20+$0x80];
	_ =	sdelay $0x4  }
0x23f: {  	v59 =	vperm.xlane v3, v0;
	_ =	sdelay $0x1  }
0x240: {  	v3 =	vperm.xlane v3, v2;
	v4 =	vadd.s32 v1, v59;
	_ =	sdelay $0x1  }
0x241: {  	v3 =	vadd.s32 v1, v3;
	_ =	sdelay $0x1  }
0x242: {  	s24 =	simm.s32 $0xA300  }
0x243: {  	[tilespmem:s24], [sflag:$0x2] =	stream.indirect_vreg.gather [hbm4b:s1+s3], $0x80, v4, vm0, $0xb8;
	[tilespmem:$0x1DF00] =	vst v63  }
0x244: {  	s24 =	simm.s32 $0xAB00  }
0x245: {  	[tilespmem:s24], [sflag:$0x2] =	stream.indirect_vreg.gather [hbm4b:s1+s3], $0x80, v3, vm0, $0xb8;
	[tilespmem:$0x1DF00] =	vst v63  }
0x246: {  	v3 =	vld [tilespmem:s20+$0x90];
	_ =	sdelay $0x4  }
0x247: {  	v60 =	vperm.xlane v3, v0;
	_ =	sdelay $0x1  }
0x248: {  	v3 =	vperm.xlane v3, v2;
	v4 =	vadd.s32 v1, v60;
	_ =	sdelay $0x1  }
0x249: {  	v3 =	vadd.s32 v1, v3;
	_ =	sdelay $0x1  }
0x24a: {  	s24 =	simm.s32 $0xB300  }
0x24b: {  	[tilespmem:s24], [sflag:$0x2] =	stream.indirect_vreg.gather [hbm4b:s1+s3], $0x80, v4, vm0, $0xb8;
	[tilespmem:$0x1DF00] =	vst v63  }
0x24c: {  	s24 =	simm.s32 $0xBB00  }
0x24d: {  	[tilespmem:s24], [sflag:$0x2] =	stream.indirect_vreg.gather [hbm4b:s1+s3], $0x80, v3, vm0, $0xb8;
	[tilespmem:$0x1DF00] =	vst v63  }
0x24e: {  	v3 =	vld [tilespmem:s20+$0xA0];
	_ =	sdelay $0x4  }
0x24f: {  	v61 =	vperm.xlane v3, v0;
	_ =	sdelay $0x1  }
0x250: {  	v3 =	vperm.xlane v3, v2;
	v4 =	vadd.s32 v1, v61;
	_ =	sdelay $0x1  }
0x251: {  	v3 =	vadd.s32 v1, v3;
	_ =	sdelay $0x1  }
0x252: {  	s24 =	simm.s32 $0xC300  }
0x253: {  	[tilespmem:s24], [sflag:$0x2] =	stream.indirect_vreg.gather [hbm4b:s1+s3], $0x80, v4, vm0, $0xb8;
	[tilespmem:$0x1DF00] =	vst v63  }
0x254: {  	s24 =	simm.s32 $0xCB00  }
0x255: {  	[tilespmem:s24], [sflag:$0x2] =	stream.indirect_vreg.gather [hbm4b:s1+s3], $0x80, v3, vm0, $0xb8;
	[tilespmem:$0x1DF00] =	vst v63  }
0x256: {  	v3 =	vld [tilespmem:s20+$0xB0];
	_ =	sdelay $0x4  }
0x257: {  	v62 =	vperm.xlane v3, v0;
	_ =	sdelay $0x1  }
0x258: {  	v3 =	vperm.xlane v3, v2;
	v4 =	vadd.s32 v1, v62;
	_ =	sdelay $0x1  }
0x259: {  	v3 =	vadd.s32 v1, v3;
	_ =	sdelay $0x1  }
0x25a: {  	s24 =	simm.s32 $0xD300  }
0x25b: {  	[tilespmem:s24], [sflag:$0x2] =	stream.indirect_vreg.gather [hbm4b:s1+s3], $0x80, v4, vm0, $0xb8;
	[tilespmem:$0x1DF00] =	vst v63  }
0x25c: {  	s24 =	simm.s32 $0xDB00  }
0x25d: {  	[tilespmem:s24], [sflag:$0x2] =	stream.indirect_vreg.gather [hbm4b:s1+s3], $0x80, v3, vm0, $0xb8;
	[tilespmem:$0x1DF00] =	vst v63  }
0x25e: {  	v3 =	vld [tilespmem:s20+$0xC0];
	_ =	sdelay $0x4  }
0x25f: {  	v63 =	vperm.xlane v3, v0;
	_ =	sdelay $0x1  }
0x260: {  	v3 =	vperm.xlane v3, v2;
	v4 =	vadd.s32 v1, v63;
	_ =	sdelay $0x1  }
0x261: {  	v3 =	vadd.s32 v1, v3;
	_ =	sdelay $0x1  }
0x262: {  	s24 =	simm.s32 $0xE300  }
0x263: {  	[tilespmem:s24], [sflag:$0x2] =	stream.indirect_vreg.gather [hbm4b:s1+s3], $0x80, v4, vm0, $0xb8;
	[tilespmem:$0x1DF00] =	vst v63  }
0x264: {  	s24 =	simm.s32 $0xEB00  }
0x265: {  	[tilespmem:s24], [sflag:$0x2] =	stream.indirect_vreg.gather [hbm4b:s1+s3], $0x80, v3, vm0, $0xb8;
	[tilespmem:$0x1DF00] =	vst v63  }
.LBB2_6:
0x266: {  	_ =	swait.ge [sflag:s13], $0x5000  }
0x267: {  	[sflag:s13] =	ssyncset.done $0x0  }
.Ltmp6:
0x268: {  	s24 =	sadd.s32 $0x1400, s22;
	[sflag:s13] =	ssyncadd.s32 $0xFFFFB000;
	(pc) =	sbr.rel @p0 .LBB2_8-.Ltmp6, $4  }
0x269: {  	[hbm4b:s24+s3] =	stream.linear.scatter [tilespmem:s23], [sflag:$0x8], $0x5000, $0x38;
	[tilespmem:$0x1DF00] =	vst v63  }
0x26a: {  	_ =	swait.ge [sflag:s14], $0x5000  }
0x26b: {  	[sflag:s14] =	ssyncset.done $0x0  }
0x26c: {  	[sflag:s14] =	ssyncadd.s32 $0xFFFFB000  }
0x26d: {  	v3 =	vld [tilespmem:s19+$0xD0];
	_ =	sdelay $0x4  }
0x26e: {  	v4 =	vperm.xlane v3, v0;
	_ =	sdelay $0x1  }
0x26f: {  	v3 =	vperm.xlane v3, v2;
	v4 =	vadd.s32 v1, v4;
	_ =	sdelay $0x1  }
0x270: {  	v3 =	vadd.s32 v1, v3;
	_ =	sdelay $0x2  }
0x271: {  	[tilespmem:s23], [sflag:$0x3] =	stream.indirect_vreg.gather [hbm4b:s1+s3], $0x80, v4, vm0, $0xb8;
	[tilespmem:$0x1DF00] =	vst v63  }
0x272: {  	s24 =	simm.s32 $0xF700  }
0x273: {  	[tilespmem:s24], [sflag:$0x3] =	stream.indirect_vreg.gather [hbm4b:s1+s3], $0x80, v3, vm0, $0xb8;
	[tilespmem:$0x1DF00] =	vst v63  }
0x274: {  	v3 =	vld [tilespmem:s19+$0xE0];
	_ =	sdelay $0x4  }
0x275: {  	v55 =	vperm.xlane v3, v0;
	_ =	sdelay $0x1  }
0x276: {  	v3 =	vperm.xlane v3, v2;
	v4 =	vadd.s32 v1, v55;
	_ =	sdelay $0x1  }
0x277: {  	v3 =	vadd.s32 v1, v3;
	_ =	sdelay $0x1  }
0x278: {  	s24 =	simm.s32 $0xFF00  }
0x279: {  	[tilespmem:s24], [sflag:$0x3] =	stream.indirect_vreg.gather [hbm4b:s1+s3], $0x80, v4, vm0, $0xb8;
	[tilespmem:$0x1DF00] =	vst v63  }
0x27a: {  	s24 =	simm.s32 $0x10700  }
0x27b: {  	[tilespmem:s24], [sflag:$0x3] =	stream.indirect_vreg.gather [hbm4b:s1+s3], $0x80, v3, vm0, $0xb8;
	[tilespmem:$0x1DF00] =	vst v63  }
0x27c: {  	v3 =	vld [tilespmem:s19+$0xF0];
	_ =	sdelay $0x4  }
0x27d: {  	v56 =	vperm.xlane v3, v0;
	_ =	sdelay $0x1  }
0x27e: {  	v3 =	vperm.xlane v3, v2;
	v4 =	vadd.s32 v1, v56;
	_ =	sdelay $0x1  }
0x27f: {  	v3 =	vadd.s32 v1, v3;
	_ =	sdelay $0x1  }
0x280: {  	s24 =	simm.s32 $0x10F00  }
0x281: {  	[tilespmem:s24], [sflag:$0x3] =	stream.indirect_vreg.gather [hbm4b:s1+s3], $0x80, v4, vm0, $0xb8;
	[tilespmem:$0x1DF00] =	vst v63  }
0x282: {  	s24 =	simm.s32 $0x11700  }
0x283: {  	[tilespmem:s24], [sflag:$0x3] =	stream.indirect_vreg.gather [hbm4b:s1+s3], $0x80, v3, vm0, $0xb8;
	[tilespmem:$0x1DF00] =	vst v63  }
0x284: {  	v3 =	vld [tilespmem:s19+$0x100];
	_ =	sdelay $0x4  }
0x285: {  	v57 =	vperm.xlane v3, v0;
	_ =	sdelay $0x1  }
0x286: {  	v3 =	vperm.xlane v3, v2;
	v4 =	vadd.s32 v1, v57;
	_ =	sdelay $0x1  }
0x287: {  	v3 =	vadd.s32 v1, v3;
	_ =	sdelay $0x1  }
0x288: {  	s24 =	simm.s32 $0x11F00  }
0x289: {  	[tilespmem:s24], [sflag:$0x3] =	stream.indirect_vreg.gather [hbm4b:s1+s3], $0x80, v4, vm0, $0xb8;
	[tilespmem:$0x1DF00] =	vst v63  }
0x28a: {  	s24 =	simm.s32 $0x12700  }
0x28b: {  	[tilespmem:s24], [sflag:$0x3] =	stream.indirect_vreg.gather [hbm4b:s1+s3], $0x80, v3, vm0, $0xb8;
	[tilespmem:$0x1DF00] =	vst v63  }
0x28c: {  	v3 =	vld [tilespmem:s19+$0x110];
	_ =	sdelay $0x4  }
0x28d: {  	v58 =	vperm.xlane v3, v0;
	_ =	sdelay $0x1  }
0x28e: {  	v3 =	vperm.xlane v3, v2;
	v4 =	vadd.s32 v1, v58;
	_ =	sdelay $0x1  }
0x28f: {  	v3 =	vadd.s32 v1, v3;
	_ =	sdelay $0x1  }
0x290: {  	s24 =	simm.s32 $0x12F00  }
0x291: {  	[tilespmem:s24], [sflag:$0x3] =	stream.indirect_vreg.gather [hbm4b:s1+s3], $0x80, v4, vm0, $0xb8;
	[tilespmem:$0x1DF00] =	vst v63  }
0x292: {  	s24 =	simm.s32 $0x13700  }
0x293: {  	[tilespmem:s24], [sflag:$0x3] =	stream.indirect_vreg.gather [hbm4b:s1+s3], $0x80, v3, vm0, $0xb8;
	[tilespmem:$0x1DF00] =	vst v63  }
0x294: {  	v3 =	vld [tilespmem:s20+$0xD0];
	_ =	sdelay $0x4  }
0x295: {  	v59 =	vperm.xlane v3, v0;
	_ =	sdelay $0x1  }
0x296: {  	v3 =	vperm.xlane v3, v2;
	v4 =	vadd.s32 v1, v59;
	_ =	sdelay $0x1  }
0x297: {  	v3 =	vadd.s32 v1, v3;
	_ =	sdelay $0x1  }
0x298: {  	s24 =	simm.s32 $0xF300  }
0x299: {  	[tilespmem:s24], [sflag:$0x3] =	stream.indirect_vreg.gather [hbm4b:s1+s3], $0x80, v4, vm0, $0xb8;
	[tilespmem:$0x1DF00] =	vst v63  }
0x29a: {  	s24 =	simm.s32 $0xFB00  }
0x29b: {  	[tilespmem:s24], [sflag:$0x3] =	stream.indirect_vreg.gather [hbm4b:s1+s3], $0x80, v3, vm0, $0xb8;
	[tilespmem:$0x1DF00] =	vst v63  }
0x29c: {  	v3 =	vld [tilespmem:s20+$0xE0];
	_ =	sdelay $0x4  }
0x29d: {  	v60 =	vperm.xlane v3, v0;
	_ =	sdelay $0x1  }
0x29e: {  	v3 =	vperm.xlane v3, v2;
	v4 =	vadd.s32 v1, v60;
	_ =	sdelay $0x1  }
0x29f: {  	v3 =	vadd.s32 v1, v3;
	_ =	sdelay $0x1  }
0x2a0: {  	s24 =	simm.s32 $0x10300  }
0x2a1: {  	[tilespmem:s24], [sflag:$0x3] =	stream.indirect_vreg.gather [hbm4b:s1+s3], $0x80, v4, vm0, $0xb8;
	[tilespmem:$0x1DF00] =	vst v63  }
0x2a2: {  	s24 =	simm.s32 $0x10B00  }
0x2a3: {  	[tilespmem:s24], [sflag:$0x3] =	stream.indirect_vreg.gather [hbm4b:s1+s3], $0x80, v3, vm0, $0xb8;
	[tilespmem:$0x1DF00] =	vst v63  }
0x2a4: {  	v3 =	vld [tilespmem:s20+$0xF0];
	_ =	sdelay $0x4  }
0x2a5: {  	v61 =	vperm.xlane v3, v0;
	_ =	sdelay $0x1  }
0x2a6: {  	v3 =	vperm.xlane v3, v2;
	v4 =	vadd.s32 v1, v61;
	_ =	sdelay $0x1  }
0x2a7: {  	v3 =	vadd.s32 v1, v3;
	_ =	sdelay $0x1  }
0x2a8: {  	s24 =	simm.s32 $0x11300  }
0x2a9: {  	[tilespmem:s24], [sflag:$0x3] =	stream.indirect_vreg.gather [hbm4b:s1+s3], $0x80, v4, vm0, $0xb8;
	[tilespmem:$0x1DF00] =	vst v63  }
0x2aa: {  	s24 =	simm.s32 $0x11B00  }
0x2ab: {  	[tilespmem:s24], [sflag:$0x3] =	stream.indirect_vreg.gather [hbm4b:s1+s3], $0x80, v3, vm0, $0xb8;
	[tilespmem:$0x1DF00] =	vst v63  }
0x2ac: {  	v3 =	vld [tilespmem:s20+$0x100];
	_ =	sdelay $0x4  }
0x2ad: {  	v62 =	vperm.xlane v3, v0;
	_ =	sdelay $0x1  }
0x2ae: {  	v3 =	vperm.xlane v3, v2;
	v4 =	vadd.s32 v1, v62;
	_ =	sdelay $0x1  }
0x2af: {  	v3 =	vadd.s32 v1, v3;
	_ =	sdelay $0x1  }
0x2b0: {  	s24 =	simm.s32 $0x12300  }
0x2b1: {  	[tilespmem:s24], [sflag:$0x3] =	stream.indirect_vreg.gather [hbm4b:s1+s3], $0x80, v4, vm0, $0xb8;
	[tilespmem:$0x1DF00] =	vst v63  }
0x2b2: {  	s24 =	simm.s32 $0x12B00  }
0x2b3: {  	[tilespmem:s24], [sflag:$0x3] =	stream.indirect_vreg.gather [hbm4b:s1+s3], $0x80, v3, vm0, $0xb8;
	[tilespmem:$0x1DF00] =	vst v63  }
0x2b4: {  	v3 =	vld [tilespmem:s20+$0x110];
	_ =	sdelay $0x4  }
0x2b5: {  	v63 =	vperm.xlane v3, v0;
	_ =	sdelay $0x1  }
0x2b6: {  	v3 =	vperm.xlane v3, v2;
	v4 =	vadd.s32 v1, v63;
	_ =	sdelay $0x1  }
0x2b7: {  	v3 =	vadd.s32 v1, v3;
	_ =	sdelay $0x1  }
0x2b8: {  	s24 =	simm.s32 $0x13300  }
0x2b9: {  	[tilespmem:s24], [sflag:$0x3] =	stream.indirect_vreg.gather [hbm4b:s1+s3], $0x80, v4, vm0, $0xb8;
	[tilespmem:$0x1DF00] =	vst v63  }
0x2ba: {  	s24 =	simm.s32 $0x13B00  }
0x2bb: {  	[tilespmem:s24], [sflag:$0x3] =	stream.indirect_vreg.gather [hbm4b:s1+s3], $0x80, v3, vm0, $0xb8;
	[tilespmem:$0x1DF00] =	vst v63  }
.LBB2_8:
0x2bc: {  	_ =	swait.ge [sflag:s15], $0x5000  }
0x2bd: {  	[sflag:s15] =	ssyncset.done $0x0  }
.Ltmp7:
0x2be: {  	s24 =	sadd.s32 $0x1E00, s22;
	[sflag:s15] =	ssyncadd.s32 $0xFFFFB000;
	(pc) =	sbr.rel @p0 .LBB2_10-.Ltmp7, $4  }
0x2bf: {  	[hbm4b:s24+s3] =	stream.linear.scatter [tilespmem:s17], [sflag:$0x9], $0x5000, $0x38;
	[tilespmem:$0x1DF00] =	vst v63  }
0x2c0: {  	_ =	swait.ge [sflag:s16], $0x5000  }
0x2c1: {  	[sflag:s16] =	ssyncset.done $0x0  }
0x2c2: {  	[sflag:s16] =	ssyncadd.s32 $0xFFFFB000  }
0x2c3: {  	v3 =	vld [tilespmem:s19+$0x120];
	_ =	sdelay $0x4  }
0x2c4: {  	v4 =	vperm.xlane v3, v0;
	_ =	sdelay $0x1  }
0x2c5: {  	v3 =	vperm.xlane v3, v2;
	v4 =	vadd.s32 v1, v4;
	_ =	sdelay $0x1  }
0x2c6: {  	v3 =	vadd.s32 v1, v3;
	_ =	sdelay $0x2  }
0x2c7: {  	[tilespmem:s17], [sflag:$0x4] =	stream.indirect_vreg.gather [hbm4b:s1+s3], $0x80, v4, vm0, $0xb8;
	[tilespmem:$0x1DF00] =	vst v63  }
0x2c8: {  	s24 =	simm.s32 $0x14700  }
0x2c9: {  	[tilespmem:s24], [sflag:$0x4] =	stream.indirect_vreg.gather [hbm4b:s1+s3], $0x80, v3, vm0, $0xb8;
	[tilespmem:$0x1DF00] =	vst v63  }
0x2ca: {  	v3 =	vld [tilespmem:s19+$0x130];
	_ =	sdelay $0x4  }
0x2cb: {  	v55 =	vperm.xlane v3, v0;
	_ =	sdelay $0x1  }
0x2cc: {  	v3 =	vperm.xlane v3, v2;
	v4 =	vadd.s32 v1, v55;
	_ =	sdelay $0x1  }
0x2cd: {  	v3 =	vadd.s32 v1, v3;
	_ =	sdelay $0x1  }
0x2ce: {  	s24 =	simm.s32 $0x14F00  }
0x2cf: {  	[tilespmem:s24], [sflag:$0x4] =	stream.indirect_vreg.gather [hbm4b:s1+s3], $0x80, v4, vm0, $0xb8;
	[tilespmem:$0x1DF00] =	vst v63  }
0x2d0: {  	s24 =	simm.s32 $0x15700  }
0x2d1: {  	[tilespmem:s24], [sflag:$0x4] =	stream.indirect_vreg.gather [hbm4b:s1+s3], $0x80, v3, vm0, $0xb8;
	[tilespmem:$0x1DF00] =	vst v63  }
0x2d2: {  	v3 =	vld [tilespmem:s19+$0x140];
	_ =	sdelay $0x4  }
0x2d3: {  	v56 =	vperm.xlane v3, v0;
	_ =	sdelay $0x1  }
0x2d4: {  	v3 =	vperm.xlane v3, v2;
	v4 =	vadd.s32 v1, v56;
	_ =	sdelay $0x1  }
0x2d5: {  	v3 =	vadd.s32 v1, v3;
	_ =	sdelay $0x1  }
0x2d6: {  	s24 =	simm.s32 $0x15F00  }
0x2d7: {  	[tilespmem:s24], [sflag:$0x4] =	stream.indirect_vreg.gather [hbm4b:s1+s3], $0x80, v4, vm0, $0xb8;
	[tilespmem:$0x1DF00] =	vst v63  }
0x2d8: {  	s24 =	simm.s32 $0x16700  }
0x2d9: {  	[tilespmem:s24], [sflag:$0x4] =	stream.indirect_vreg.gather [hbm4b:s1+s3], $0x80, v3, vm0, $0xb8;
	[tilespmem:$0x1DF00] =	vst v63  }
0x2da: {  	v3 =	vld [tilespmem:s19+$0x150];
	_ =	sdelay $0x4  }
0x2db: {  	v57 =	vperm.xlane v3, v0;
	_ =	sdelay $0x1  }
0x2dc: {  	v3 =	vperm.xlane v3, v2;
	v4 =	vadd.s32 v1, v57;
	_ =	sdelay $0x1  }
0x2dd: {  	v3 =	vadd.s32 v1, v3;
	_ =	sdelay $0x1  }
0x2de: {  	s24 =	simm.s32 $0x16F00  }
0x2df: {  	[tilespmem:s24], [sflag:$0x4] =	stream.indirect_vreg.gather [hbm4b:s1+s3], $0x80, v4, vm0, $0xb8;
	[tilespmem:$0x1DF00] =	vst v63  }
0x2e0: {  	s24 =	simm.s32 $0x17700  }
0x2e1: {  	[tilespmem:s24], [sflag:$0x4] =	stream.indirect_vreg.gather [hbm4b:s1+s3], $0x80, v3, vm0, $0xb8;
	[tilespmem:$0x1DF00] =	vst v63  }
0x2e2: {  	v3 =	vld [tilespmem:s19+$0x160];
	_ =	sdelay $0x4  }
0x2e3: {  	v58 =	vperm.xlane v3, v0;
	_ =	sdelay $0x1  }
0x2e4: {  	v3 =	vperm.xlane v3, v2;
	v4 =	vadd.s32 v1, v58;
	_ =	sdelay $0x1  }
0x2e5: {  	v3 =	vadd.s32 v1, v3;
	_ =	sdelay $0x1  }
0x2e6: {  	s24 =	simm.s32 $0x17F00  }
0x2e7: {  	[tilespmem:s24], [sflag:$0x4] =	stream.indirect_vreg.gather [hbm4b:s1+s3], $0x80, v4, vm0, $0xb8;
	[tilespmem:$0x1DF00] =	vst v63  }
0x2e8: {  	s24 =	simm.s32 $0x18700  }
0x2e9: {  	[tilespmem:s24], [sflag:$0x4] =	stream.indirect_vreg.gather [hbm4b:s1+s3], $0x80, v3, vm0, $0xb8;
	[tilespmem:$0x1DF00] =	vst v63  }
0x2ea: {  	v3 =	vld [tilespmem:s20+$0x120];
	_ =	sdelay $0x4  }
0x2eb: {  	v59 =	vperm.xlane v3, v0;
	_ =	sdelay $0x1  }
0x2ec: {  	v3 =	vperm.xlane v3, v2;
	v4 =	vadd.s32 v1, v59;
	_ =	sdelay $0x1  }
0x2ed: {  	v3 =	vadd.s32 v1, v3;
	_ =	sdelay $0x1  }
0x2ee: {  	s24 =	simm.s32 $0x14300  }
0x2ef: {  	[tilespmem:s24], [sflag:$0x4] =	stream.indirect_vreg.gather [hbm4b:s1+s3], $0x80, v4, vm0, $0xb8;
	[tilespmem:$0x1DF00] =	vst v63  }
0x2f0: {  	s24 =	simm.s32 $0x14B00  }
0x2f1: {  	[tilespmem:s24], [sflag:$0x4] =	stream.indirect_vreg.gather [hbm4b:s1+s3], $0x80, v3, vm0, $0xb8;
	[tilespmem:$0x1DF00] =	vst v63  }
0x2f2: {  	v3 =	vld [tilespmem:s20+$0x130];
	_ =	sdelay $0x4  }
0x2f3: {  	v60 =	vperm.xlane v3, v0;
	_ =	sdelay $0x1  }
0x2f4: {  	v3 =	vperm.xlane v3, v2;
	v4 =	vadd.s32 v1, v60;
	_ =	sdelay $0x1  }
0x2f5: {  	v3 =	vadd.s32 v1, v3;
	_ =	sdelay $0x1  }
0x2f6: {  	s24 =	simm.s32 $0x15300  }
0x2f7: {  	[tilespmem:s24], [sflag:$0x4] =	stream.indirect_vreg.gather [hbm4b:s1+s3], $0x80, v4, vm0, $0xb8;
	[tilespmem:$0x1DF00] =	vst v63  }
0x2f8: {  	s24 =	simm.s32 $0x15B00  }
0x2f9: {  	[tilespmem:s24], [sflag:$0x4] =	stream.indirect_vreg.gather [hbm4b:s1+s3], $0x80, v3, vm0, $0xb8;
	[tilespmem:$0x1DF00] =	vst v63  }
0x2fa: {  	v3 =	vld [tilespmem:s20+$0x140];
	_ =	sdelay $0x4  }
0x2fb: {  	v61 =	vperm.xlane v3, v0;
	_ =	sdelay $0x1  }
0x2fc: {  	v3 =	vperm.xlane v3, v2;
	v4 =	vadd.s32 v1, v61;
	_ =	sdelay $0x1  }
0x2fd: {  	v3 =	vadd.s32 v1, v3;
	_ =	sdelay $0x1  }
0x2fe: {  	s24 =	simm.s32 $0x16300  }
0x2ff: {  	[tilespmem:s24], [sflag:$0x4] =	stream.indirect_vreg.gather [hbm4b:s1+s3], $0x80, v4, vm0, $0xb8;
	[tilespmem:$0x1DF00] =	vst v63  }
0x300: {  	s24 =	simm.s32 $0x16B00  }
0x301: {  	[tilespmem:s24], [sflag:$0x4] =	stream.indirect_vreg.gather [hbm4b:s1+s3], $0x80, v3, vm0, $0xb8;
	[tilespmem:$0x1DF00] =	vst v63  }
0x302: {  	v3 =	vld [tilespmem:s20+$0x150];
	_ =	sdelay $0x4  }
0x303: {  	v62 =	vperm.xlane v3, v0;
	_ =	sdelay $0x1  }
0x304: {  	v3 =	vperm.xlane v3, v2;
	v4 =	vadd.s32 v1, v62;
	_ =	sdelay $0x1  }
0x305: {  	v3 =	vadd.s32 v1, v3;
	_ =	sdelay $0x1  }
0x306: {  	s24 =	simm.s32 $0x17300  }
0x307: {  	[tilespmem:s24], [sflag:$0x4] =	stream.indirect_vreg.gather [hbm4b:s1+s3], $0x80, v4, vm0, $0xb8;
	[tilespmem:$0x1DF00] =	vst v63  }
0x308: {  	s24 =	simm.s32 $0x17B00  }
0x309: {  	[tilespmem:s24], [sflag:$0x4] =	stream.indirect_vreg.gather [hbm4b:s1+s3], $0x80, v3, vm0, $0xb8;
	[tilespmem:$0x1DF00] =	vst v63  }
0x30a: {  	v3 =	vld [tilespmem:s20+$0x160];
	_ =	sdelay $0x4  }
0x30b: {  	v63 =	vperm.xlane v3, v0;
	_ =	sdelay $0x1  }
0x30c: {  	v3 =	vperm.xlane v3, v2;
	v4 =	vadd.s32 v1, v63;
	_ =	sdelay $0x1  }
0x30d: {  	v3 =	vadd.s32 v1, v3  }
.Ltmp8:
0x30e: {  	_ = 	snop;
	(pc) =	sbr.rel .LBB2_10-.Ltmp8, $4  }
0x30f: {  	s24 =	simm.s32 $0x18300  }
0x310: {  	[tilespmem:s24], [sflag:$0x4] =	stream.indirect_vreg.gather [hbm4b:s1+s3], $0x80, v4, vm0, $0xb8;
	[tilespmem:$0x1DF00] =	vst v63  }
0x311: {  	s24 =	simm.s32 $0x18B00  }
0x312: {  	[tilespmem:s24], [sflag:$0x4] =	stream.indirect_vreg.gather [hbm4b:s1+s3], $0x80, v3, vm0, $0xb8;
	[tilespmem:$0x1DF00] =	vst v63  }
.LBB2_12:
0x313: {  	_ =	sfence.sel $0x180000  }
0x314: {  	[bflag:$0x0] =	sbarrier.arrive $0xFFFF  }
0x315: {  	_ =	strace $0x90000047  }
0x316: {  	s0 =	stileid.u32;
	[bflag:$0x2] =	sbarrier.arrive $0xFFFF  }
0x317: {  	p0 =	sne.s32 s0, $0x0;
	s0 =	rddreg [dreg:$0x3]  }
0x318: {  	s0 =	sadd.s32 @!p0 $0x100000, s0  }
0x319: {  	[sflag:s0] =	ssyncadd.tile.s32 @!p0 $0x1;
	_ =	shalt  }
.Lfunc_end2:
_tile_overlayer_lowered:
.L_overlay_start_2:
0x31a: {  	(tag) =	ssettag $0x2  }
0x31b: {  	s0 =	rddreg [dreg:$0x0];
	s2 =	stileid.u32  }
0x31c: {  	s1 =	rddreg [dreg:$0x1];
	p0 =	sne.s32 s2, $0x0  }
0x31d: {  	s3 =	rddreg [dreg:$0x2];
	[bflag:$0x3] =	sbarrier.arrive $0xFFFF;
	s2 =	simm.s32 @!p0 $0x1C0B  }
0x31e: {  	[timem:s3], [sflag:s2] =	dma.local @!p0 [hbm:s0], s1  }
0x31f: {  	s0 =	simm.s32 @!p0 $0xB  }
0x320: {  	_ =	swait.ge @!p0 [sflag:s0], s1  }
0x321: {  	s1 =	ssub.s32 @!p0 $0x0, s1;
	[sflag:s0] =	ssyncset.done @!p0 $0x0  }
0x322: {  	[sflag:s0] =	ssyncadd.s32 @!p0 s1  }
0x323: {  	[bflag:$0x3] =	sbarrier.arrive $0xFFFF  }
0x324: {  	_ =	shalt  }

</sc_bundles>
